<compile_context>
chip_gen: v7x
topology: tpu7x:2x2x1
jax: 0.10.2.dev20260603
libtpu: 0.0.44.dev20260713+nightly
codegen_flags: <defaults>
</compile_context>

<pallas_src>
import jax
import jax.numpy as jnp
from jax import lax
from jax.experimental import pallas as pl
from jax.experimental.pallas import tpu as pltpu
from jax.experimental.pallas import tpu_sc as plsc

BINS = 256
BATCH = 16384


_G = 16
_R = 2 * BATCH // _G


_B = BATCH // _G


_H = 4
_BH = _B // _H


def _plane_copy(s_hbm, buf, sems, step, slot):
    base = step * _B
    return tuple(
        pltpu.make_async_copy(
            s_hbm.at[pl.ds(base + h * _BH, _BH), p],
            buf.at[slot, p, pl.ds(h * _BH, _BH)],
            sems.at[slot, p * _H + h])
        for p in (0, 1) for h in range(_H)
    )


def _tc_am_body(s_hbm, out_ref, buf, sems):
    i = pl.program_id(0)

    @pl.when(i == 0)
    def _prime():
        for c in _plane_copy(s_hbm, buf, sems, 0, 0):
            c.start()

    @pl.when(i + 1 < _G)
    def _prefetch():
        for c in _plane_copy(s_hbm, buf, sems, i + 1, (i + 1) % 2):
            c.start()

    cur = i % 2
    for c in _plane_copy(s_hbm, buf, sems, i, cur):
        c.wait()

    def first_argmax(m):
        mx = jnp.max(m, axis=1, keepdims=True)
        io = lax.broadcasted_iota(jnp.int32, m.shape, 1)
        return jnp.min(jnp.where(m == mx, io, BINS), axis=1)

    xi = first_argmax(buf[cur, 0])
    yi = first_argmax(buf[cur, 1])
    out_ref[...] = (xi * BINS + yi).reshape(_B // 128, 128)


def _tc_rowidx(s):
    return pl.pallas_call(
        _tc_am_body,
        out_shape=jax.ShapeDtypeStruct((BATCH // 128, 128), jnp.int32),
        grid=(_G,),
        in_specs=[pl.BlockSpec(memory_space=pl.ANY)],
        out_specs=pl.BlockSpec((_B // 128, 128), lambda i: (i, 0)),
        scratch_shapes=[
            pltpu.VMEM((2, 2, _B, BINS), jnp.float32),
            pltpu.SemaphoreType.DMA((2, 2 * _H)),
        ],
        compiler_params=pltpu.CompilerParams(skip_device_barrier=True),
    )(s)



_NW = 32
_CH = 128
_NCH = BATCH // _NW // _CH
_L = 16


def _sc_gather_body(ridx_hbm, a_hbm, tbl_hbm, out_hbm,
                    ridx_v, a_v, rows_v, out_v, sem0, sem1):
    cid = lax.axis_index("c")
    sid = lax.axis_index("s")
    wid = sid * 2 + cid
    row0 = wid * _NCH
    n = _NCH * _CH
    pltpu.sync_copy(ridx_hbm.at[pl.ds(row0, _NCH)], ridx_v)
    pltpu.sync_copy(a_hbm.at[pl.ds(wid * n, n)], a_v)

    lane = lax.iota(jnp.int32, _L)
    sems = (sem0, sem1)
    cp = pltpu.async_copy(tbl_hbm.at[ridx_v.at[0]], rows_v.at[0], sems[0])
    for j in range(_NCH):
        if j + 1 < _NCH:
            nxt = pltpu.async_copy(
                tbl_hbm.at[ridx_v.at[j + 1]], rows_v.at[(j + 1) & 1],
                sems[(j + 1) & 1])
        cp.wait()
        buf = rows_v.at[j & 1]
        for k in range(_CH // _L):
            rl = lane + (k * _L)
            av = a_v[pl.ds(j * _CH + k * _L, _L)]
            out_v[pl.ds(j * _CH + k * _L, _L)] = plsc.load_gather(buf, [rl, av])
        if j + 1 < _NCH:
            cp = nxt
    pltpu.sync_copy(out_v, out_hbm.at[pl.ds(wid * n, n)])


def _sc_gather(ridx2, a1, tbl2):
    f = pl.kernel(
        _sc_gather_body,
        out_type=jax.ShapeDtypeStruct((BATCH,), jnp.float32),
        mesh=plsc.VectorSubcoreMesh(core_axis_name="c", subcore_axis_name="s"),
        scratch_types=[
            pltpu.VMEM((_NCH, _CH), jnp.int32),
            pltpu.VMEM((_NCH * _CH,), jnp.int32),
            pltpu.VMEM((2, _CH, BINS), jnp.float32),
            pltpu.VMEM((_NCH * _CH,), jnp.float32),
            pltpu.SemaphoreType.DMA,
            pltpu.SemaphoreType.DMA,
        ],
        compiler_params=pltpu.CompilerParams(
            use_tc_tiling_on_sc=True, needs_layout_passes=False,
            skip_device_barrier=True),
    )
    return f(ridx2, a1, tbl2)


def kernel(s, a, table):
    ridx = _tc_rowidx(s)
    return _sc_gather(ridx, a.astype(jnp.int32),
                      table.reshape(BINS * BINS, BINS))

# --- scband reference (transcript-rebuilt; emitter-appended) ---
"""Pipeline reference for scband-tabular-q-15264313769992 (READ-ONLY COPY).

The authoritative reference and input builder live on the scoring server;
editing this copy changes nothing except your own understanding.
"""

import jax, jax.numpy as jnp
import numpy as np

BINS = 256
BATCH = 16384


def setup_inputs(seed: int = 0) -> dict:
    key = jax.random.key(seed)
    k1, k2, k3 = jax.random.split(key, 3)
    s = jax.random.normal(k1, (BATCH, 2, BINS), dtype=jnp.float32)
    a = jax.random.randint(k2, (BATCH,), 0, BINS, dtype=jnp.int64)
    # learned param: Q-table of shape (bins, bins, n_actions=bins); original init is zeros,
    # use small random values so the lookup output is nontrivial
    table = jax.random.normal(k3, (BINS, BINS, BINS), dtype=jnp.float32) * 0.01
    return {"s": s, "a": a, "table": table}


def reference(s, a, table):
    # Faithful translation of TabularQ.apply's batched_lookup.
    def lookup(tbl, s_i, a_i):
        # s_i: [2, BINS]; argmax along axis=1 gives the two discrete state indices
        xy = jnp.argmax(s_i, axis=1)
        x, y = xy[0], xy[1]
        a_i = a_i.astype(jnp.int32)
        return tbl[x][y][a_i]

    batched_lookup = jax.vmap(lookup, in_axes=(None, 0, 0))
    return batched_lookup(table, s, a)

if __name__ == "__main__":
    import jax
    _d = setup_inputs()
    print(jax.jit(kernel)(*tuple(_d.values())))

</pallas_src>

<mosaic_0001>
#map = affine_map<(d0, d1) -> (0, 0)>
#map1 = affine_map<(d0, d1) -> (0)>
module attributes {stable_mosaic.version = 14 : i64} {
  func.func @_sc_gather_body(%arg0: i32, %arg1: i32, %arg2: memref<128x128xi32, #tpu.memory_space<hbm>>, %arg3: memref<16384xi32, #tpu.memory_space<hbm>>, %arg4: memref<65536x256xf32, #tpu.memory_space<hbm>>, %arg5: memref<16384xf32, #tpu.memory_space<hbm>>, %arg6: memref<4x128xi32, #tpu.memory_space<vmem>>, %arg7: memref<512xi32, #tpu.memory_space<vmem>>, %arg8: memref<2x128x256xf32, #tpu.memory_space<vmem>>, %arg9: memref<512xf32, #tpu.memory_space<vmem>>, %arg10: memref<!tpu.dma_semaphore, #tpu.memory_space<semaphore_mem>>, %arg11: memref<!tpu.dma_semaphore, #tpu.memory_space<semaphore_mem>>) attributes {dimension_semantics = [#tpu.dimension_semantics<core_parallel>, #tpu.dimension_semantics<subcore_parallel>], iteration_bounds = array<i64: 2, 16>, scalar_prefetch = 0 : i64, scratch_operands = 6 : i64, tpu.core_type = #tpu.core_type<sc_vector_subcore>, window_params = [{transform_indices = #map}, {transform_indices = #map1}, {transform_indices = #map}, {transform_indices = #map1}]} {
    %mul3A = arith.constant 2 : i32
    %mul3A_0 = arith.muli %arg1, %mul3A : i32
    %add3A = arith.addi %mul3A_0, %arg0 : i32
    %mul3A_1 = arith.constant 4 : i32
    %mul3A_2 = arith.muli %add3A, %mul3A_1 : i32
    "tpu.region"() ({
      %run_scoped3A = tpu.sem_alloc : memref<!tpu.dma_semaphore, #tpu.memory_space<semaphore_mem>>
      %dma_start3A_514 = arith.constant 0 : i32
      %dma_start3A_515 = tpu.memref_slice %arg2[%mul3A_2, %dma_start3A_514] : memref<128x128xi32, #tpu.memory_space<hbm>> -> memref<4x128xi32, #tpu.memory_space<hbm>>
      %dma_start3A_516 = arith.constant 0 : i32
      %dma_start3A_517 = tpu.memref_slice %arg2[%mul3A_2, %dma_start3A_516] : memref<128x128xi32, #tpu.memory_space<hbm>> -> memref<4x128xi32, #tpu.memory_space<hbm>>
      tpu.enqueue_dma source(%dma_start3A_517 : memref<4x128xi32, #tpu.memory_space<hbm>>) target(%arg6 : memref<4x128xi32, #tpu.memory_space<vmem>>) target_semaphore(%run_scoped3A : memref<!tpu.dma_semaphore, #tpu.memory_space<semaphore_mem>>)
      %dma_wait3A_518 = arith.constant 0 : i32
      %dma_wait3A_519 = tpu.memref_slice %arg2[%mul3A_2, %dma_wait3A_518] : memref<128x128xi32, #tpu.memory_space<hbm>> -> memref<4x128xi32, #tpu.memory_space<hbm>>
      %dma_wait3A_520 = arith.constant 0 : i32
      %dma_wait3A_521 = tpu.memref_slice %arg2[%mul3A_2, %dma_wait3A_520] : memref<128x128xi32, #tpu.memory_space<hbm>> -> memref<4x128xi32, #tpu.memory_space<hbm>>
      tpu.wait_dma2 semaphore(%run_scoped3A : memref<!tpu.dma_semaphore, #tpu.memory_space<semaphore_mem>>) src(%dma_wait3A_521 : memref<4x128xi32, #tpu.memory_space<hbm>>) dst(%arg6 : memref<4x128xi32, #tpu.memory_space<vmem>>)
      tpu.yield
    }) : () -> ()
    %mul3A_3 = arith.constant 512 : i32
    %mul3A_4 = arith.muli %add3A, %mul3A_3 : i32
    "tpu.region"() ({
      %run_scoped3A = tpu.sem_alloc : memref<!tpu.dma_semaphore, #tpu.memory_space<semaphore_mem>>
      %dma_start3A_514 = tpu.memref_slice %arg3[%mul3A_4] : memref<16384xi32, #tpu.memory_space<hbm>> -> memref<512xi32, #tpu.memory_space<hbm>>
      %dma_start3A_515 = tpu.memref_slice %arg3[%mul3A_4] : memref<16384xi32, #tpu.memory_space<hbm>> -> memref<512xi32, #tpu.memory_space<hbm>>
      tpu.enqueue_dma source(%dma_start3A_515 : memref<512xi32, #tpu.memory_space<hbm>>) target(%arg7 : memref<512xi32, #tpu.memory_space<vmem>>) target_semaphore(%run_scoped3A : memref<!tpu.dma_semaphore, #tpu.memory_space<semaphore_mem>>)
      %dma_wait3A_516 = tpu.memref_slice %arg3[%mul3A_4] : memref<16384xi32, #tpu.memory_space<hbm>> -> memref<512xi32, #tpu.memory_space<hbm>>
      %dma_wait3A_517 = tpu.memref_slice %arg3[%mul3A_4] : memref<16384xi32, #tpu.memory_space<hbm>> -> memref<512xi32, #tpu.memory_space<hbm>>
      tpu.wait_dma2 semaphore(%run_scoped3A : memref<!tpu.dma_semaphore, #tpu.memory_space<semaphore_mem>>) src(%dma_wait3A_517 : memref<512xi32, #tpu.memory_space<hbm>>) dst(%arg7 : memref<512xi32, #tpu.memory_space<vmem>>)
      tpu.yield
    }) : () -> ()
    %iota3A = tpu.iota {dimensions = array<i32: 0>} : vector<16xi32>
    %dma_start3A = arith.constant 0 : i32
    %dma_start3A_5 = arith.constant 0 : i32
    %dma_start3A_6 = arith.constant 0 : i32
    %dma_start3A_7 = arith.constant 0 : i32
    %dma_start3A_8 = tpu.memref_slice %arg8[%dma_start3A_5, %dma_start3A_6, %dma_start3A_7] : memref<2x128x256xf32, #tpu.memory_space<vmem>> -> memref<1x128x256xf32, #tpu.memory_space<vmem>>
    %dma_start3A_9 = tpu.memref_squeeze %dma_start3A_8 : memref<1x128x256xf32, #tpu.memory_space<vmem>> -> memref<128x256xf32, #tpu.memory_space<vmem>>
    %dma_start3A_10 = arith.constant 0 : i32
    %dma_start3A_11 = tpu.memref_slice %arg6[%dma_start3A, %dma_start3A_10] : memref<4x128xi32, #tpu.memory_space<vmem>> -> memref<1x128xi32, #tpu.memory_space<vmem>>
    %dma_start3A_12 = tpu.memref_squeeze %dma_start3A_11 : memref<1x128xi32, #tpu.memory_space<vmem>> -> memref<128xi32, #tpu.memory_space<vmem>>
    %dma_start3A_13 = arith.constant 0 : i32
    %dma_start3A_14 = arith.constant 0 : i32
    %dma_start3A_15 = tpu.memref_slice %arg4[%dma_start3A_13, %dma_start3A_14] : memref<65536x256xf32, #tpu.memory_space<hbm>> -> memref<65536x256xf32, #tpu.memory_space<hbm>>
    tpu.enqueue_indirect_dma source(%dma_start3A_15 : memref<65536x256xf32, #tpu.memory_space<hbm>>) target(%dma_start3A_9 : memref<128x256xf32, #tpu.memory_space<vmem>>) offsets(%dma_start3A_12 : memref<128xi32, #tpu.memory_space<vmem>>) semaphore(%arg10 : memref<!tpu.dma_semaphore, #tpu.memory_space<semaphore_mem>>)
    %dma_start3A_16 = arith.constant 1 : i32
    %dma_start3A_17 = arith.constant 1 : i32
    %dma_start3A_18 = arith.constant 0 : i32
    %dma_start3A_19 = arith.constant 0 : i32
    %dma_start3A_20 = tpu.memref_slice %arg8[%dma_start3A_17, %dma_start3A_18, %dma_start3A_19] : memref<2x128x256xf32, #tpu.memory_space<vmem>> -> memref<1x128x256xf32, #tpu.memory_space<vmem>>
    %dma_start3A_21 = tpu.memref_squeeze %dma_start3A_20 : memref<1x128x256xf32, #tpu.memory_space<vmem>> -> memref<128x256xf32, #tpu.memory_space<vmem>>
    %dma_start3A_22 = arith.constant 0 : i32
    %dma_start3A_23 = tpu.memref_slice %arg6[%dma_start3A_16, %dma_start3A_22] : memref<4x128xi32, #tpu.memory_space<vmem>> -> memref<1x128xi32, #tpu.memory_space<vmem>>
    %dma_start3A_24 = tpu.memref_squeeze %dma_start3A_23 : memref<1x128xi32, #tpu.memory_space<vmem>> -> memref<128xi32, #tpu.memory_space<vmem>>
    %dma_start3A_25 = arith.constant 0 : i32
    %dma_start3A_26 = arith.constant 0 : i32
    %dma_start3A_27 = tpu.memref_slice %arg4[%dma_start3A_25, %dma_start3A_26] : memref<65536x256xf32, #tpu.memory_space<hbm>> -> memref<65536x256xf32, #tpu.memory_space<hbm>>
    tpu.enqueue_indirect_dma source(%dma_start3A_27 : memref<65536x256xf32, #tpu.memory_space<hbm>>) target(%dma_start3A_21 : memref<128x256xf32, #tpu.memory_space<vmem>>) offsets(%dma_start3A_24 : memref<128xi32, #tpu.memory_space<vmem>>) semaphore(%arg11 : memref<!tpu.dma_semaphore, #tpu.memory_space<semaphore_mem>>)
    %dma_wait3A = arith.constant 0 : i32
    %dma_wait3A_28 = arith.constant 0 : i32
    %dma_wait3A_29 = arith.constant 0 : i32
    %dma_wait3A_30 = arith.constant 0 : i32
    %dma_wait3A_31 = tpu.memref_slice %arg8[%dma_wait3A_28, %dma_wait3A_29, %dma_wait3A_30] : memref<2x128x256xf32, #tpu.memory_space<vmem>> -> memref<1x128x256xf32, #tpu.memory_space<vmem>>
    %dma_wait3A_32 = tpu.memref_squeeze %dma_wait3A_31 : memref<1x128x256xf32, #tpu.memory_space<vmem>> -> memref<128x256xf32, #tpu.memory_space<vmem>>
    %dma_wait3A_33 = arith.constant 0 : i32
    %dma_wait3A_34 = tpu.memref_slice %arg6[%dma_wait3A, %dma_wait3A_33] : memref<4x128xi32, #tpu.memory_space<vmem>> -> memref<1x128xi32, #tpu.memory_space<vmem>>
    %dma_wait3A_35 = tpu.memref_squeeze %dma_wait3A_34 : memref<1x128xi32, #tpu.memory_space<vmem>> -> memref<128xi32, #tpu.memory_space<vmem>>
    %dma_wait3A_36 = arith.constant 0 : i32
    %dma_wait3A_37 = arith.constant 0 : i32
    %dma_wait3A_38 = tpu.memref_slice %arg4[%dma_wait3A_36, %dma_wait3A_37] : memref<65536x256xf32, #tpu.memory_space<hbm>> -> memref<65536x256xf32, #tpu.memory_space<hbm>>
    tpu.wait_indirect_dma semaphore(%arg10 : memref<!tpu.dma_semaphore, #tpu.memory_space<semaphore_mem>>) src(%dma_wait3A_38 : memref<65536x256xf32, #tpu.memory_space<hbm>>) dst(%dma_wait3A_32 : memref<128x256xf32, #tpu.memory_space<vmem>>)
    %add3A_39 = arith.constant 0 : i32
    %add3A_40 = vector.broadcast %add3A_39 : i32 to vector<16xi32>
    %add3A_41 = arith.addi %iota3A, %add3A_40 : vector<16xi32>
    %get3A = arith.constant 0 : index
    %get3A_42 = tpu.vector_load %arg7[%get3A] {strides = array<i32>} : memref<512xi32, #tpu.memory_space<vmem>>, vector<16xi32>,
    %gather3A = arith.constant 0 : i32
    %gather3A_43 = arith.constant 0 : i32
    %gather3A_44 = arith.constant 0 : i32
    %gather3A_45 = tpu.memref_slice %arg8[%gather3A, %gather3A_43, %gather3A_44] : memref<2x128x256xf32, #tpu.memory_space<vmem>> -> memref<1x128x256xf32, #tpu.memory_space<vmem>>
    %gather3A_46 = tpu.memref_squeeze %gather3A_45 : memref<1x128x256xf32, #tpu.memory_space<vmem>> -> memref<128x256xf32, #tpu.memory_space<vmem>>
    %gather3A_47 = tpu.vector_load_idx %gather3A_46[%add3A_41, %get3A_42] : memref<128x256xf32, #tpu.memory_space<vmem>>[vector<16xi32>, vector<16xi32>], vector<16xf32>,
    %swap3A = arith.constant 0 : index
    %swap3A_48 = tpu.vector_load %arg9[%swap3A] {strides = array<i32>} : memref<512xf32, #tpu.memory_space<vmem>>, vector<16xf32>,
    tpu.vector_store %arg9[%swap3A], %gather3A_47 {strides = array<i32>} : memref<512xf32, #tpu.memory_space<vmem>>, vector<16xf32>,
    %add3A_49 = arith.constant 16 : i32
    %add3A_50 = vector.broadcast %add3A_49 : i32 to vector<16xi32>
    %add3A_51 = arith.addi %iota3A, %add3A_50 : vector<16xi32>
    %get3A_52 = arith.constant 16 : index
    %get3A_53 = tpu.vector_load %arg7[%get3A_52] {strides = array<i32>} : memref<512xi32, #tpu.memory_space<vmem>>, vector<16xi32>,
    %gather3A_54 = arith.constant 0 : i32
    %gather3A_55 = arith.constant 0 : i32
    %gather3A_56 = arith.constant 0 : i32
    %gather3A_57 = tpu.memref_slice %arg8[%gather3A_54, %gather3A_55, %gather3A_56] : memref<2x128x256xf32, #tpu.memory_space<vmem>> -> memref<1x128x256xf32, #tpu.memory_space<vmem>>
    %gather3A_58 = tpu.memref_squeeze %gather3A_57 : memref<1x128x256xf32, #tpu.memory_space<vmem>> -> memref<128x256xf32, #tpu.memory_space<vmem>>
    %gather3A_59 = tpu.vector_load_idx %gather3A_58[%add3A_51, %get3A_53] : memref<128x256xf32, #tpu.memory_space<vmem>>[vector<16xi32>, vector<16xi32>], vector<16xf32>,
    %swap3A_60 = arith.constant 16 : index
    %swap3A_61 = tpu.vector_load %arg9[%swap3A_60] {strides = array<i32>} : memref<512xf32, #tpu.memory_space<vmem>>, vector<16xf32>,
    tpu.vector_store %arg9[%swap3A_60], %gather3A_59 {strides = array<i32>} : memref<512xf32, #tpu.memory_space<vmem>>, vector<16xf32>,
    %add3A_62 = arith.constant 32 : i32
    %add3A_63 = vector.broadcast %add3A_62 : i32 to vector<16xi32>
    %add3A_64 = arith.addi %iota3A, %add3A_63 : vector<16xi32>
    %get3A_65 = arith.constant 32 : index
    %get3A_66 = tpu.vector_load %arg7[%get3A_65] {strides = array<i32>} : memref<512xi32, #tpu.memory_space<vmem>>, vector<16xi32>,
    %gather3A_67 = arith.constant 0 : i32
    %gather3A_68 = arith.constant 0 : i32
    %gather3A_69 = arith.constant 0 : i32
    %gather3A_70 = tpu.memref_slice %arg8[%gather3A_67, %gather3A_68, %gather3A_69] : memref<2x128x256xf32, #tpu.memory_space<vmem>> -> memref<1x128x256xf32, #tpu.memory_space<vmem>>
    %gather3A_71 = tpu.memref_squeeze %gather3A_70 : memref<1x128x256xf32, #tpu.memory_space<vmem>> -> memref<128x256xf32, #tpu.memory_space<vmem>>
    %gather3A_72 = tpu.vector_load_idx %gather3A_71[%add3A_64, %get3A_66] : memref<128x256xf32, #tpu.memory_space<vmem>>[vector<16xi32>, vector<16xi32>], vector<16xf32>,
    %swap3A_73 = arith.constant 32 : index
    %swap3A_74 = tpu.vector_load %arg9[%swap3A_73] {strides = array<i32>} : memref<512xf32, #tpu.memory_space<vmem>>, vector<16xf32>,
    tpu.vector_store %arg9[%swap3A_73], %gather3A_72 {strides = array<i32>} : memref<512xf32, #tpu.memory_space<vmem>>, vector<16xf32>,
    %add3A_75 = arith.constant 48 : i32
    %add3A_76 = vector.broadcast %add3A_75 : i32 to vector<16xi32>
    %add3A_77 = arith.addi %iota3A, %add3A_76 : vector<16xi32>
    %get3A_78 = arith.constant 48 : index
    %get3A_79 = tpu.vector_load %arg7[%get3A_78] {strides = array<i32>} : memref<512xi32, #tpu.memory_space<vmem>>, vector<16xi32>,
    %gather3A_80 = arith.constant 0 : i32
    %gather3A_81 = arith.constant 0 : i32
    %gather3A_82 = arith.constant 0 : i32
    %gather3A_83 = tpu.memref_slice %arg8[%gather3A_80, %gather3A_81, %gather3A_82] : memref<2x128x256xf32, #tpu.memory_space<vmem>> -> memref<1x128x256xf32, #tpu.memory_space<vmem>>
    %gather3A_84 = tpu.memref_squeeze %gather3A_83 : memref<1x128x256xf32, #tpu.memory_space<vmem>> -> memref<128x256xf32, #tpu.memory_space<vmem>>
    %gather3A_85 = tpu.vector_load_idx %gather3A_84[%add3A_77, %get3A_79] : memref<128x256xf32, #tpu.memory_space<vmem>>[vector<16xi32>, vector<16xi32>], vector<16xf32>,
    %swap3A_86 = arith.constant 48 : index
    %swap3A_87 = tpu.vector_load %arg9[%swap3A_86] {strides = array<i32>} : memref<512xf32, #tpu.memory_space<vmem>>, vector<16xf32>,
    tpu.vector_store %arg9[%swap3A_86], %gather3A_85 {strides = array<i32>} : memref<512xf32, #tpu.memory_space<vmem>>, vector<16xf32>,
    %add3A_88 = arith.constant 64 : i32
    %add3A_89 = vector.broadcast %add3A_88 : i32 to vector<16xi32>
    %add3A_90 = arith.addi %iota3A, %add3A_89 : vector<16xi32>
    %get3A_91 = arith.constant 64 : index
    %get3A_92 = tpu.vector_load %arg7[%get3A_91] {strides = array<i32>} : memref<512xi32, #tpu.memory_space<vmem>>, vector<16xi32>,
    %gather3A_93 = arith.constant 0 : i32
    %gather3A_94 = arith.constant 0 : i32
    %gather3A_95 = arith.constant 0 : i32
    %gather3A_96 = tpu.memref_slice %arg8[%gather3A_93, %gather3A_94, %gather3A_95] : memref<2x128x256xf32, #tpu.memory_space<vmem>> -> memref<1x128x256xf32, #tpu.memory_space<vmem>>
    %gather3A_97 = tpu.memref_squeeze %gather3A_96 : memref<1x128x256xf32, #tpu.memory_space<vmem>> -> memref<128x256xf32, #tpu.memory_space<vmem>>
    %gather3A_98 = tpu.vector_load_idx %gather3A_97[%add3A_90, %get3A_92] : memref<128x256xf32, #tpu.memory_space<vmem>>[vector<16xi32>, vector<16xi32>], vector<16xf32>,
    %swap3A_99 = arith.constant 64 : index
    %swap3A_100 = tpu.vector_load %arg9[%swap3A_99] {strides = array<i32>} : memref<512xf32, #tpu.memory_space<vmem>>, vector<16xf32>,
    tpu.vector_store %arg9[%swap3A_99], %gather3A_98 {strides = array<i32>} : memref<512xf32, #tpu.memory_space<vmem>>, vector<16xf32>,
    %add3A_101 = arith.constant 80 : i32
    %add3A_102 = vector.broadcast %add3A_101 : i32 to vector<16xi32>
    %add3A_103 = arith.addi %iota3A, %add3A_102 : vector<16xi32>
    %get3A_104 = arith.constant 80 : index
    %get3A_105 = tpu.vector_load %arg7[%get3A_104] {strides = array<i32>} : memref<512xi32, #tpu.memory_space<vmem>>, vector<16xi32>,
    %gather3A_106 = arith.constant 0 : i32
    %gather3A_107 = arith.constant 0 : i32
    %gather3A_108 = arith.constant 0 : i32
    %gather3A_109 = tpu.memref_slice %arg8[%gather3A_106, %gather3A_107, %gather3A_108] : memref<2x128x256xf32, #tpu.memory_space<vmem>> -> memref<1x128x256xf32, #tpu.memory_space<vmem>>
    %gather3A_110 = tpu.memref_squeeze %gather3A_109 : memref<1x128x256xf32, #tpu.memory_space<vmem>> -> memref<128x256xf32, #tpu.memory_space<vmem>>
    %gather3A_111 = tpu.vector_load_idx %gather3A_110[%add3A_103, %get3A_105] : memref<128x256xf32, #tpu.memory_space<vmem>>[vector<16xi32>, vector<16xi32>], vector<16xf32>,
    %swap3A_112 = arith.constant 80 : index
    %swap3A_113 = tpu.vector_load %arg9[%swap3A_112] {strides = array<i32>} : memref<512xf32, #tpu.memory_space<vmem>>, vector<16xf32>,
    tpu.vector_store %arg9[%swap3A_112], %gather3A_111 {strides = array<i32>} : memref<512xf32, #tpu.memory_space<vmem>>, vector<16xf32>,
    %add3A_114 = arith.constant 96 : i32
    %add3A_115 = vector.broadcast %add3A_114 : i32 to vector<16xi32>
    %add3A_116 = arith.addi %iota3A, %add3A_115 : vector<16xi32>
    %get3A_117 = arith.constant 96 : index
    %get3A_118 = tpu.vector_load %arg7[%get3A_117] {strides = array<i32>} : memref<512xi32, #tpu.memory_space<vmem>>, vector<16xi32>,
    %gather3A_119 = arith.constant 0 : i32
    %gather3A_120 = arith.constant 0 : i32
    %gather3A_121 = arith.constant 0 : i32
    %gather3A_122 = tpu.memref_slice %arg8[%gather3A_119, %gather3A_120, %gather3A_121] : memref<2x128x256xf32, #tpu.memory_space<vmem>> -> memref<1x128x256xf32, #tpu.memory_space<vmem>>
    %gather3A_123 = tpu.memref_squeeze %gather3A_122 : memref<1x128x256xf32, #tpu.memory_space<vmem>> -> memref<128x256xf32, #tpu.memory_space<vmem>>
    %gather3A_124 = tpu.vector_load_idx %gather3A_123[%add3A_116, %get3A_118] : memref<128x256xf32, #tpu.memory_space<vmem>>[vector<16xi32>, vector<16xi32>], vector<16xf32>,
    %swap3A_125 = arith.constant 96 : index
    %swap3A_126 = tpu.vector_load %arg9[%swap3A_125] {strides = array<i32>} : memref<512xf32, #tpu.memory_space<vmem>>, vector<16xf32>,
    tpu.vector_store %arg9[%swap3A_125], %gather3A_124 {strides = array<i32>} : memref<512xf32, #tpu.memory_space<vmem>>, vector<16xf32>,
    %add3A_127 = arith.constant 112 : i32
    %add3A_128 = vector.broadcast %add3A_127 : i32 to vector<16xi32>
    %add3A_129 = arith.addi %iota3A, %add3A_128 : vector<16xi32>
    %get3A_130 = arith.constant 112 : index
    %get3A_131 = tpu.vector_load %arg7[%get3A_130] {strides = array<i32>} : memref<512xi32, #tpu.memory_space<vmem>>, vector<16xi32>,
    %gather3A_132 = arith.constant 0 : i32
    %gather3A_133 = arith.constant 0 : i32
    %gather3A_134 = arith.constant 0 : i32
    %gather3A_135 = tpu.memref_slice %arg8[%gather3A_132, %gather3A_133, %gather3A_134] : memref<2x128x256xf32, #tpu.memory_space<vmem>> -> memref<1x128x256xf32, #tpu.memory_space<vmem>>
    %gather3A_136 = tpu.memref_squeeze %gather3A_135 : memref<1x128x256xf32, #tpu.memory_space<vmem>> -> memref<128x256xf32, #tpu.memory_space<vmem>>
    %gather3A_137 = tpu.vector_load_idx %gather3A_136[%add3A_129, %get3A_131] : memref<128x256xf32, #tpu.memory_space<vmem>>[vector<16xi32>, vector<16xi32>], vector<16xf32>,
    %swap3A_138 = arith.constant 112 : index
    %swap3A_139 = tpu.vector_load %arg9[%swap3A_138] {strides = array<i32>} : memref<512xf32, #tpu.memory_space<vmem>>, vector<16xf32>,
    tpu.vector_store %arg9[%swap3A_138], %gather3A_137 {strides = array<i32>} : memref<512xf32, #tpu.memory_space<vmem>>, vector<16xf32>,
    %dma_start3A_140 = arith.constant 2 : i32
    %dma_start3A_141 = arith.constant 0 : i32
    %dma_start3A_142 = arith.constant 0 : i32
    %dma_start3A_143 = arith.constant 0 : i32
    %dma_start3A_144 = tpu.memref_slice %arg8[%dma_start3A_141, %dma_start3A_142, %dma_start3A_143] : memref<2x128x256xf32, #tpu.memory_space<vmem>> -> memref<1x128x256xf32, #tpu.memory_space<vmem>>
    %dma_start3A_145 = tpu.memref_squeeze %dma_start3A_144 : memref<1x128x256xf32, #tpu.memory_space<vmem>> -> memref<128x256xf32, #tpu.memory_space<vmem>>
    %dma_start3A_146 = arith.constant 0 : i32
    %dma_start3A_147 = tpu.memref_slice %arg6[%dma_start3A_140, %dma_start3A_146] : memref<4x128xi32, #tpu.memory_space<vmem>> -> memref<1x128xi32, #tpu.memory_space<vmem>>
    %dma_start3A_148 = tpu.memref_squeeze %dma_start3A_147 : memref<1x128xi32, #tpu.memory_space<vmem>> -> memref<128xi32, #tpu.memory_space<vmem>>
    %dma_start3A_149 = arith.constant 0 : i32
    %dma_start3A_150 = arith.constant 0 : i32
    %dma_start3A_151 = tpu.memref_slice %arg4[%dma_start3A_149, %dma_start3A_150] : memref<65536x256xf32, #tpu.memory_space<hbm>> -> memref<65536x256xf32, #tpu.memory_space<hbm>>
    tpu.enqueue_indirect_dma source(%dma_start3A_151 : memref<65536x256xf32, #tpu.memory_space<hbm>>) target(%dma_start3A_145 : memref<128x256xf32, #tpu.memory_space<vmem>>) offsets(%dma_start3A_148 : memref<128xi32, #tpu.memory_space<vmem>>) semaphore(%arg10 : memref<!tpu.dma_semaphore, #tpu.memory_space<semaphore_mem>>)
    %dma_wait3A_152 = arith.constant 1 : i32
    %dma_wait3A_153 = arith.constant 1 : i32
    %dma_wait3A_154 = arith.constant 0 : i32
    %dma_wait3A_155 = arith.constant 0 : i32
    %dma_wait3A_156 = tpu.memref_slice %arg8[%dma_wait3A_153, %dma_wait3A_154, %dma_wait3A_155] : memref<2x128x256xf32, #tpu.memory_space<vmem>> -> memref<1x128x256xf32, #tpu.memory_space<vmem>>
    %dma_wait3A_157 = tpu.memref_squeeze %dma_wait3A_156 : memref<1x128x256xf32, #tpu.memory_space<vmem>> -> memref<128x256xf32, #tpu.memory_space<vmem>>
    %dma_wait3A_158 = arith.constant 0 : i32
    %dma_wait3A_159 = tpu.memref_slice %arg6[%dma_wait3A_152, %dma_wait3A_158] : memref<4x128xi32, #tpu.memory_space<vmem>> -> memref<1x128xi32, #tpu.memory_space<vmem>>
    %dma_wait3A_160 = tpu.memref_squeeze %dma_wait3A_159 : memref<1x128xi32, #tpu.memory_space<vmem>> -> memref<128xi32, #tpu.memory_space<vmem>>
    %dma_wait3A_161 = arith.constant 0 : i32
    %dma_wait3A_162 = arith.constant 0 : i32
    %dma_wait3A_163 = tpu.memref_slice %arg4[%dma_wait3A_161, %dma_wait3A_162] : memref<65536x256xf32, #tpu.memory_space<hbm>> -> memref<65536x256xf32, #tpu.memory_space<hbm>>
    tpu.wait_indirect_dma semaphore(%arg11 : memref<!tpu.dma_semaphore, #tpu.memory_space<semaphore_mem>>) src(%dma_wait3A_163 : memref<65536x256xf32, #tpu.memory_space<hbm>>) dst(%dma_wait3A_157 : memref<128x256xf32, #tpu.memory_space<vmem>>)
    %add3A_164 = arith.constant 0 : i32
    %add3A_165 = vector.broadcast %add3A_164 : i32 to vector<16xi32>
    %add3A_166 = arith.addi %iota3A, %add3A_165 : vector<16xi32>
    %get3A_167 = arith.constant 128 : index
    %get3A_168 = tpu.vector_load %arg7[%get3A_167] {strides = array<i32>} : memref<512xi32, #tpu.memory_space<vmem>>, vector<16xi32>,
    %gather3A_169 = arith.constant 1 : i32
    %gather3A_170 = arith.constant 0 : i32
    %gather3A_171 = arith.constant 0 : i32
    %gather3A_172 = tpu.memref_slice %arg8[%gather3A_169, %gather3A_170, %gather3A_171] : memref<2x128x256xf32, #tpu.memory_space<vmem>> -> memref<1x128x256xf32, #tpu.memory_space<vmem>>
    %gather3A_173 = tpu.memref_squeeze %gather3A_172 : memref<1x128x256xf32, #tpu.memory_space<vmem>> -> memref<128x256xf32, #tpu.memory_space<vmem>>
    %gather3A_174 = tpu.vector_load_idx %gather3A_173[%add3A_166, %get3A_168] : memref<128x256xf32, #tpu.memory_space<vmem>>[vector<16xi32>, vector<16xi32>], vector<16xf32>,
    %swap3A_175 = arith.constant 128 : index
    %swap3A_176 = tpu.vector_load %arg9[%swap3A_175] {strides = array<i32>} : memref<512xf32, #tpu.memory_space<vmem>>, vector<16xf32>,
    tpu.vector_store %arg9[%swap3A_175], %gather3A_174 {strides = array<i32>} : memref<512xf32, #tpu.memory_space<vmem>>, vector<16xf32>,
    %add3A_177 = arith.constant 16 : i32
    %add3A_178 = vector.broadcast %add3A_177 : i32 to vector<16xi32>
    %add3A_179 = arith.addi %iota3A, %add3A_178 : vector<16xi32>
    %get3A_180 = arith.constant 144 : index
    %get3A_181 = tpu.vector_load %arg7[%get3A_180] {strides = array<i32>} : memref<512xi32, #tpu.memory_space<vmem>>, vector<16xi32>,
    %gather3A_182 = arith.constant 1 : i32
    %gather3A_183 = arith.constant 0 : i32
    %gather3A_184 = arith.constant 0 : i32
    %gather3A_185 = tpu.memref_slice %arg8[%gather3A_182, %gather3A_183, %gather3A_184] : memref<2x128x256xf32, #tpu.memory_space<vmem>> -> memref<1x128x256xf32, #tpu.memory_space<vmem>>
    %gather3A_186 = tpu.memref_squeeze %gather3A_185 : memref<1x128x256xf32, #tpu.memory_space<vmem>> -> memref<128x256xf32, #tpu.memory_space<vmem>>
    %gather3A_187 = tpu.vector_load_idx %gather3A_186[%add3A_179, %get3A_181] : memref<128x256xf32, #tpu.memory_space<vmem>>[vector<16xi32>, vector<16xi32>], vector<16xf32>,
    %swap3A_188 = arith.constant 144 : index
    %swap3A_189 = tpu.vector_load %arg9[%swap3A_188] {strides = array<i32>} : memref<512xf32, #tpu.memory_space<vmem>>, vector<16xf32>,
    tpu.vector_store %arg9[%swap3A_188], %gather3A_187 {strides = array<i32>} : memref<512xf32, #tpu.memory_space<vmem>>, vector<16xf32>,
    %add3A_190 = arith.constant 32 : i32
    %add3A_191 = vector.broadcast %add3A_190 : i32 to vector<16xi32>
    %add3A_192 = arith.addi %iota3A, %add3A_191 : vector<16xi32>
    %get3A_193 = arith.constant 160 : index
    %get3A_194 = tpu.vector_load %arg7[%get3A_193] {strides = array<i32>} : memref<512xi32, #tpu.memory_space<vmem>>, vector<16xi32>,
    %gather3A_195 = arith.constant 1 : i32
    %gather3A_196 = arith.constant 0 : i32
    %gather3A_197 = arith.constant 0 : i32
    %gather3A_198 = tpu.memref_slice %arg8[%gather3A_195, %gather3A_196, %gather3A_197] : memref<2x128x256xf32, #tpu.memory_space<vmem>> -> memref<1x128x256xf32, #tpu.memory_space<vmem>>
    %gather3A_199 = tpu.memref_squeeze %gather3A_198 : memref<1x128x256xf32, #tpu.memory_space<vmem>> -> memref<128x256xf32, #tpu.memory_space<vmem>>
    %gather3A_200 = tpu.vector_load_idx %gather3A_199[%add3A_192, %get3A_194] : memref<128x256xf32, #tpu.memory_space<vmem>>[vector<16xi32>, vector<16xi32>], vector<16xf32>,
    %swap3A_201 = arith.constant 160 : index
    %swap3A_202 = tpu.vector_load %arg9[%swap3A_201] {strides = array<i32>} : memref<512xf32, #tpu.memory_space<vmem>>, vector<16xf32>,
    tpu.vector_store %arg9[%swap3A_201], %gather3A_200 {strides = array<i32>} : memref<512xf32, #tpu.memory_space<vmem>>, vector<16xf32>,
    %add3A_203 = arith.constant 48 : i32
    %add3A_204 = vector.broadcast %add3A_203 : i32 to vector<16xi32>
    %add3A_205 = arith.addi %iota3A, %add3A_204 : vector<16xi32>
    %get3A_206 = arith.constant 176 : index
    %get3A_207 = tpu.vector_load %arg7[%get3A_206] {strides = array<i32>} : memref<512xi32, #tpu.memory_space<vmem>>, vector<16xi32>,
    %gather3A_208 = arith.constant 1 : i32
    %gather3A_209 = arith.constant 0 : i32
    %gather3A_210 = arith.constant 0 : i32
    %gather3A_211 = tpu.memref_slice %arg8[%gather3A_208, %gather3A_209, %gather3A_210] : memref<2x128x256xf32, #tpu.memory_space<vmem>> -> memref<1x128x256xf32, #tpu.memory_space<vmem>>
    %gather3A_212 = tpu.memref_squeeze %gather3A_211 : memref<1x128x256xf32, #tpu.memory_space<vmem>> -> memref<128x256xf32, #tpu.memory_space<vmem>>
    %gather3A_213 = tpu.vector_load_idx %gather3A_212[%add3A_205, %get3A_207] : memref<128x256xf32, #tpu.memory_space<vmem>>[vector<16xi32>, vector<16xi32>], vector<16xf32>,
    %swap3A_214 = arith.constant 176 : index
    %swap3A_215 = tpu.vector_load %arg9[%swap3A_214] {strides = array<i32>} : memref<512xf32, #tpu.memory_space<vmem>>, vector<16xf32>,
    tpu.vector_store %arg9[%swap3A_214], %gather3A_213 {strides = array<i32>} : memref<512xf32, #tpu.memory_space<vmem>>, vector<16xf32>,
    %add3A_216 = arith.constant 64 : i32
    %add3A_217 = vector.broadcast %add3A_216 : i32 to vector<16xi32>
    %add3A_218 = arith.addi %iota3A, %add3A_217 : vector<16xi32>
    %get3A_219 = arith.constant 192 : index
    %get3A_220 = tpu.vector_load %arg7[%get3A_219] {strides = array<i32>} : memref<512xi32, #tpu.memory_space<vmem>>, vector<16xi32>,
    %gather3A_221 = arith.constant 1 : i32
    %gather3A_222 = arith.constant 0 : i32
    %gather3A_223 = arith.constant 0 : i32
    %gather3A_224 = tpu.memref_slice %arg8[%gather3A_221, %gather3A_222, %gather3A_223] : memref<2x128x256xf32, #tpu.memory_space<vmem>> -> memref<1x128x256xf32, #tpu.memory_space<vmem>>
    %gather3A_225 = tpu.memref_squeeze %gather3A_224 : memref<1x128x256xf32, #tpu.memory_space<vmem>> -> memref<128x256xf32, #tpu.memory_space<vmem>>
    %gather3A_226 = tpu.vector_load_idx %gather3A_225[%add3A_218, %get3A_220] : memref<128x256xf32, #tpu.memory_space<vmem>>[vector<16xi32>, vector<16xi32>], vector<16xf32>,
    %swap3A_227 = arith.constant 192 : index
    %swap3A_228 = tpu.vector_load %arg9[%swap3A_227] {strides = array<i32>} : memref<512xf32, #tpu.memory_space<vmem>>, vector<16xf32>,
    tpu.vector_store %arg9[%swap3A_227], %gather3A_226 {strides = array<i32>} : memref<512xf32, #tpu.memory_space<vmem>>, vector<16xf32>,
    %add3A_229 = arith.constant 80 : i32
    %add3A_230 = vector.broadcast %add3A_229 : i32 to vector<16xi32>
    %add3A_231 = arith.addi %iota3A, %add3A_230 : vector<16xi32>
    %get3A_232 = arith.constant 208 : index
    %get3A_233 = tpu.vector_load %arg7[%get3A_232] {strides = array<i32>} : memref<512xi32, #tpu.memory_space<vmem>>, vector<16xi32>,
    %gather3A_234 = arith.constant 1 : i32
    %gather3A_235 = arith.constant 0 : i32
    %gather3A_236 = arith.constant 0 : i32
    %gather3A_237 = tpu.memref_slice %arg8[%gather3A_234, %gather3A_235, %gather3A_236] : memref<2x128x256xf32, #tpu.memory_space<vmem>> -> memref<1x128x256xf32, #tpu.memory_space<vmem>>
    %gather3A_238 = tpu.memref_squeeze %gather3A_237 : memref<1x128x256xf32, #tpu.memory_space<vmem>> -> memref<128x256xf32, #tpu.memory_space<vmem>>
    %gather3A_239 = tpu.vector_load_idx %gather3A_238[%add3A_231, %get3A_233] : memref<128x256xf32, #tpu.memory_space<vmem>>[vector<16xi32>, vector<16xi32>], vector<16xf32>,
    %swap3A_240 = arith.constant 208 : index
    %swap3A_241 = tpu.vector_load %arg9[%swap3A_240] {strides = array<i32>} : memref<512xf32, #tpu.memory_space<vmem>>, vector<16xf32>,
    tpu.vector_store %arg9[%swap3A_240], %gather3A_239 {strides = array<i32>} : memref<512xf32, #tpu.memory_space<vmem>>, vector<16xf32>,
    %add3A_242 = arith.constant 96 : i32
    %add3A_243 = vector.broadcast %add3A_242 : i32 to vector<16xi32>
    %add3A_244 = arith.addi %iota3A, %add3A_243 : vector<16xi32>
    %get3A_245 = arith.constant 224 : index
    %get3A_246 = tpu.vector_load %arg7[%get3A_245] {strides = array<i32>} : memref<512xi32, #tpu.memory_space<vmem>>, vector<16xi32>,
    %gather3A_247 = arith.constant 1 : i32
    %gather3A_248 = arith.constant 0 : i32
    %gather3A_249 = arith.constant 0 : i32
    %gather3A_250 = tpu.memref_slice %arg8[%gather3A_247, %gather3A_248, %gather3A_249] : memref<2x128x256xf32, #tpu.memory_space<vmem>> -> memref<1x128x256xf32, #tpu.memory_space<vmem>>
    %gather3A_251 = tpu.memref_squeeze %gather3A_250 : memref<1x128x256xf32, #tpu.memory_space<vmem>> -> memref<128x256xf32, #tpu.memory_space<vmem>>
    %gather3A_252 = tpu.vector_load_idx %gather3A_251[%add3A_244, %get3A_246] : memref<128x256xf32, #tpu.memory_space<vmem>>[vector<16xi32>, vector<16xi32>], vector<16xf32>,
    %swap3A_253 = arith.constant 224 : index
    %swap3A_254 = tpu.vector_load %arg9[%swap3A_253] {strides = array<i32>} : memref<512xf32, #tpu.memory_space<vmem>>, vector<16xf32>,
    tpu.vector_store %arg9[%swap3A_253], %gather3A_252 {strides = array<i32>} : memref<512xf32, #tpu.memory_space<vmem>>, vector<16xf32>,
    %add3A_255 = arith.constant 112 : i32
    %add3A_256 = vector.broadcast %add3A_255 : i32 to vector<16xi32>
    %add3A_257 = arith.addi %iota3A, %add3A_256 : vector<16xi32>
    %get3A_258 = arith.constant 240 : index
    %get3A_259 = tpu.vector_load %arg7[%get3A_258] {strides = array<i32>} : memref<512xi32, #tpu.memory_space<vmem>>, vector<16xi32>,
    %gather3A_260 = arith.constant 1 : i32
    %gather3A_261 = arith.constant 0 : i32
    %gather3A_262 = arith.constant 0 : i32
    %gather3A_263 = tpu.memref_slice %arg8[%gather3A_260, %gather3A_261, %gather3A_262] : memref<2x128x256xf32, #tpu.memory_space<vmem>> -> memref<1x128x256xf32, #tpu.memory_space<vmem>>
    %gather3A_264 = tpu.memref_squeeze %gather3A_263 : memref<1x128x256xf32, #tpu.memory_space<vmem>> -> memref<128x256xf32, #tpu.memory_space<vmem>>
    %gather3A_265 = tpu.vector_load_idx %gather3A_264[%add3A_257, %get3A_259] : memref<128x256xf32, #tpu.memory_space<vmem>>[vector<16xi32>, vector<16xi32>], vector<16xf32>,
    %swap3A_266 = arith.constant 240 : index
    %swap3A_267 = tpu.vector_load %arg9[%swap3A_266] {strides = array<i32>} : memref<512xf32, #tpu.memory_space<vmem>>, vector<16xf32>,
    tpu.vector_store %arg9[%swap3A_266], %gather3A_265 {strides = array<i32>} : memref<512xf32, #tpu.memory_space<vmem>>, vector<16xf32>,
    %dma_start3A_268 = arith.constant 3 : i32
    %dma_start3A_269 = arith.constant 1 : i32
    %dma_start3A_270 = arith.constant 0 : i32
    %dma_start3A_271 = arith.constant 0 : i32
    %dma_start3A_272 = tpu.memref_slice %arg8[%dma_start3A_269, %dma_start3A_270, %dma_start3A_271] : memref<2x128x256xf32, #tpu.memory_space<vmem>> -> memref<1x128x256xf32, #tpu.memory_space<vmem>>
    %dma_start3A_273 = tpu.memref_squeeze %dma_start3A_272 : memref<1x128x256xf32, #tpu.memory_space<vmem>> -> memref<128x256xf32, #tpu.memory_space<vmem>>
    %dma_start3A_274 = arith.constant 0 : i32
    %dma_start3A_275 = tpu.memref_slice %arg6[%dma_start3A_268, %dma_start3A_274] : memref<4x128xi32, #tpu.memory_space<vmem>> -> memref<1x128xi32, #tpu.memory_space<vmem>>
    %dma_start3A_276 = tpu.memref_squeeze %dma_start3A_275 : memref<1x128xi32, #tpu.memory_space<vmem>> -> memref<128xi32, #tpu.memory_space<vmem>>
    %dma_start3A_277 = arith.constant 0 : i32
    %dma_start3A_278 = arith.constant 0 : i32
    %dma_start3A_279 = tpu.memref_slice %arg4[%dma_start3A_277, %dma_start3A_278] : memref<65536x256xf32, #tpu.memory_space<hbm>> -> memref<65536x256xf32, #tpu.memory_space<hbm>>
    tpu.enqueue_indirect_dma source(%dma_start3A_279 : memref<65536x256xf32, #tpu.memory_space<hbm>>) target(%dma_start3A_273 : memref<128x256xf32, #tpu.memory_space<vmem>>) offsets(%dma_start3A_276 : memref<128xi32, #tpu.memory_space<vmem>>) semaphore(%arg11 : memref<!tpu.dma_semaphore, #tpu.memory_space<semaphore_mem>>)
    %dma_wait3A_280 = arith.constant 2 : i32
    %dma_wait3A_281 = arith.constant 0 : i32
    %dma_wait3A_282 = arith.constant 0 : i32
    %dma_wait3A_283 = arith.constant 0 : i32
    %dma_wait3A_284 = tpu.memref_slice %arg8[%dma_wait3A_281, %dma_wait3A_282, %dma_wait3A_283] : memref<2x128x256xf32, #tpu.memory_space<vmem>> -> memref<1x128x256xf32, #tpu.memory_space<vmem>>
    %dma_wait3A_285 = tpu.memref_squeeze %dma_wait3A_284 : memref<1x128x256xf32, #tpu.memory_space<vmem>> -> memref<128x256xf32, #tpu.memory_space<vmem>>
    %dma_wait3A_286 = arith.constant 0 : i32
    %dma_wait3A_287 = tpu.memref_slice %arg6[%dma_wait3A_280, %dma_wait3A_286] : memref<4x128xi32, #tpu.memory_space<vmem>> -> memref<1x128xi32, #tpu.memory_space<vmem>>
    %dma_wait3A_288 = tpu.memref_squeeze %dma_wait3A_287 : memref<1x128xi32, #tpu.memory_space<vmem>> -> memref<128xi32, #tpu.memory_space<vmem>>
    %dma_wait3A_289 = arith.constant 0 : i32
    %dma_wait3A_290 = arith.constant 0 : i32
    %dma_wait3A_291 = tpu.memref_slice %arg4[%dma_wait3A_289, %dma_wait3A_290] : memref<65536x256xf32, #tpu.memory_space<hbm>> -> memref<65536x256xf32, #tpu.memory_space<hbm>>
    tpu.wait_indirect_dma semaphore(%arg10 : memref<!tpu.dma_semaphore, #tpu.memory_space<semaphore_mem>>) src(%dma_wait3A_291 : memref<65536x256xf32, #tpu.memory_space<hbm>>) dst(%dma_wait3A_285 : memref<128x256xf32, #tpu.memory_space<vmem>>)
    %add3A_292 = arith.constant 0 : i32
    %add3A_293 = vector.broadcast %add3A_292 : i32 to vector<16xi32>
    %add3A_294 = arith.addi %iota3A, %add3A_293 : vector<16xi32>
    %get3A_295 = arith.constant 256 : index
    %get3A_296 = tpu.vector_load %arg7[%get3A_295] {strides = array<i32>} : memref<512xi32, #tpu.memory_space<vmem>>, vector<16xi32>,
    %gather3A_297 = arith.constant 0 : i32
    %gather3A_298 = arith.constant 0 : i32
    %gather3A_299 = arith.constant 0 : i32
    %gather3A_300 = tpu.memref_slice %arg8[%gather3A_297, %gather3A_298, %gather3A_299] : memref<2x128x256xf32, #tpu.memory_space<vmem>> -> memref<1x128x256xf32, #tpu.memory_space<vmem>>
    %gather3A_301 = tpu.memref_squeeze %gather3A_300 : memref<1x128x256xf32, #tpu.memory_space<vmem>> -> memref<128x256xf32, #tpu.memory_space<vmem>>
    %gather3A_302 = tpu.vector_load_idx %gather3A_301[%add3A_294, %get3A_296] : memref<128x256xf32, #tpu.memory_space<vmem>>[vector<16xi32>, vector<16xi32>], vector<16xf32>,
    %swap3A_303 = arith.constant 256 : index
    %swap3A_304 = tpu.vector_load %arg9[%swap3A_303] {strides = array<i32>} : memref<512xf32, #tpu.memory_space<vmem>>, vector<16xf32>,
    tpu.vector_store %arg9[%swap3A_303], %gather3A_302 {strides = array<i32>} : memref<512xf32, #tpu.memory_space<vmem>>, vector<16xf32>,
    %add3A_305 = arith.constant 16 : i32
    %add3A_306 = vector.broadcast %add3A_305 : i32 to vector<16xi32>
    %add3A_307 = arith.addi %iota3A, %add3A_306 : vector<16xi32>
    %get3A_308 = arith.constant 272 : index
    %get3A_309 = tpu.vector_load %arg7[%get3A_308] {strides = array<i32>} : memref<512xi32, #tpu.memory_space<vmem>>, vector<16xi32>,
    %gather3A_310 = arith.constant 0 : i32
    %gather3A_311 = arith.constant 0 : i32
    %gather3A_312 = arith.constant 0 : i32
    %gather3A_313 = tpu.memref_slice %arg8[%gather3A_310, %gather3A_311, %gather3A_312] : memref<2x128x256xf32, #tpu.memory_space<vmem>> -> memref<1x128x256xf32, #tpu.memory_space<vmem>>
    %gather3A_314 = tpu.memref_squeeze %gather3A_313 : memref<1x128x256xf32, #tpu.memory_space<vmem>> -> memref<128x256xf32, #tpu.memory_space<vmem>>
    %gather3A_315 = tpu.vector_load_idx %gather3A_314[%add3A_307, %get3A_309] : memref<128x256xf32, #tpu.memory_space<vmem>>[vector<16xi32>, vector<16xi32>], vector<16xf32>,
    %swap3A_316 = arith.constant 272 : index
    %swap3A_317 = tpu.vector_load %arg9[%swap3A_316] {strides = array<i32>} : memref<512xf32, #tpu.memory_space<vmem>>, vector<16xf32>,
    tpu.vector_store %arg9[%swap3A_316], %gather3A_315 {strides = array<i32>} : memref<512xf32, #tpu.memory_space<vmem>>, vector<16xf32>,
    %add3A_318 = arith.constant 32 : i32
    %add3A_319 = vector.broadcast %add3A_318 : i32 to vector<16xi32>
    %add3A_320 = arith.addi %iota3A, %add3A_319 : vector<16xi32>
    %get3A_321 = arith.constant 288 : index
    %get3A_322 = tpu.vector_load %arg7[%get3A_321] {strides = array<i32>} : memref<512xi32, #tpu.memory_space<vmem>>, vector<16xi32>,
    %gather3A_323 = arith.constant 0 : i32
    %gather3A_324 = arith.constant 0 : i32
    %gather3A_325 = arith.constant 0 : i32
    %gather3A_326 = tpu.memref_slice %arg8[%gather3A_323, %gather3A_324, %gather3A_325] : memref<2x128x256xf32, #tpu.memory_space<vmem>> -> memref<1x128x256xf32, #tpu.memory_space<vmem>>
    %gather3A_327 = tpu.memref_squeeze %gather3A_326 : memref<1x128x256xf32, #tpu.memory_space<vmem>> -> memref<128x256xf32, #tpu.memory_space<vmem>>
    %gather3A_328 = tpu.vector_load_idx %gather3A_327[%add3A_320, %get3A_322] : memref<128x256xf32, #tpu.memory_space<vmem>>[vector<16xi32>, vector<16xi32>], vector<16xf32>,
    %swap3A_329 = arith.constant 288 : index
    %swap3A_330 = tpu.vector_load %arg9[%swap3A_329] {strides = array<i32>} : memref<512xf32, #tpu.memory_space<vmem>>, vector<16xf32>,
    tpu.vector_store %arg9[%swap3A_329], %gather3A_328 {strides = array<i32>} : memref<512xf32, #tpu.memory_space<vmem>>, vector<16xf32>,
    %add3A_331 = arith.constant 48 : i32
    %add3A_332 = vector.broadcast %add3A_331 : i32 to vector<16xi32>
    %add3A_333 = arith.addi %iota3A, %add3A_332 : vector<16xi32>
    %get3A_334 = arith.constant 304 : index
    %get3A_335 = tpu.vector_load %arg7[%get3A_334] {strides = array<i32>} : memref<512xi32, #tpu.memory_space<vmem>>, vector<16xi32>,
    %gather3A_336 = arith.constant 0 : i32
    %gather3A_337 = arith.constant 0 : i32
    %gather3A_338 = arith.constant 0 : i32
    %gather3A_339 = tpu.memref_slice %arg8[%gather3A_336, %gather3A_337, %gather3A_338] : memref<2x128x256xf32, #tpu.memory_space<vmem>> -> memref<1x128x256xf32, #tpu.memory_space<vmem>>
    %gather3A_340 = tpu.memref_squeeze %gather3A_339 : memref<1x128x256xf32, #tpu.memory_space<vmem>> -> memref<128x256xf32, #tpu.memory_space<vmem>>
    %gather3A_341 = tpu.vector_load_idx %gather3A_340[%add3A_333, %get3A_335] : memref<128x256xf32, #tpu.memory_space<vmem>>[vector<16xi32>, vector<16xi32>], vector<16xf32>,
    %swap3A_342 = arith.constant 304 : index
    %swap3A_343 = tpu.vector_load %arg9[%swap3A_342] {strides = array<i32>} : memref<512xf32, #tpu.memory_space<vmem>>, vector<16xf32>,
    tpu.vector_store %arg9[%swap3A_342], %gather3A_341 {strides = array<i32>} : memref<512xf32, #tpu.memory_space<vmem>>, vector<16xf32>,
    %add3A_344 = arith.constant 64 : i32
    %add3A_345 = vector.broadcast %add3A_344 : i32 to vector<16xi32>
    %add3A_346 = arith.addi %iota3A, %add3A_345 : vector<16xi32>
    %get3A_347 = arith.constant 320 : index
    %get3A_348 = tpu.vector_load %arg7[%get3A_347] {strides = array<i32>} : memref<512xi32, #tpu.memory_space<vmem>>, vector<16xi32>,
    %gather3A_349 = arith.constant 0 : i32
    %gather3A_350 = arith.constant 0 : i32
    %gather3A_351 = arith.constant 0 : i32
    %gather3A_352 = tpu.memref_slice %arg8[%gather3A_349, %gather3A_350, %gather3A_351] : memref<2x128x256xf32, #tpu.memory_space<vmem>> -> memref<1x128x256xf32, #tpu.memory_space<vmem>>
    %gather3A_353 = tpu.memref_squeeze %gather3A_352 : memref<1x128x256xf32, #tpu.memory_space<vmem>> -> memref<128x256xf32, #tpu.memory_space<vmem>>
    %gather3A_354 = tpu.vector_load_idx %gather3A_353[%add3A_346, %get3A_348] : memref<128x256xf32, #tpu.memory_space<vmem>>[vector<16xi32>, vector<16xi32>], vector<16xf32>,
    %swap3A_355 = arith.constant 320 : index
    %swap3A_356 = tpu.vector_load %arg9[%swap3A_355] {strides = array<i32>} : memref<512xf32, #tpu.memory_space<vmem>>, vector<16xf32>,
    tpu.vector_store %arg9[%swap3A_355], %gather3A_354 {strides = array<i32>} : memref<512xf32, #tpu.memory_space<vmem>>, vector<16xf32>,
    %add3A_357 = arith.constant 80 : i32
    %add3A_358 = vector.broadcast %add3A_357 : i32 to vector<16xi32>
    %add3A_359 = arith.addi %iota3A, %add3A_358 : vector<16xi32>
    %get3A_360 = arith.constant 336 : index
    %get3A_361 = tpu.vector_load %arg7[%get3A_360] {strides = array<i32>} : memref<512xi32, #tpu.memory_space<vmem>>, vector<16xi32>,
    %gather3A_362 = arith.constant 0 : i32
    %gather3A_363 = arith.constant 0 : i32
    %gather3A_364 = arith.constant 0 : i32
    %gather3A_365 = tpu.memref_slice %arg8[%gather3A_362, %gather3A_363, %gather3A_364] : memref<2x128x256xf32, #tpu.memory_space<vmem>> -> memref<1x128x256xf32, #tpu.memory_space<vmem>>
    %gather3A_366 = tpu.memref_squeeze %gather3A_365 : memref<1x128x256xf32, #tpu.memory_space<vmem>> -> memref<128x256xf32, #tpu.memory_space<vmem>>
    %gather3A_367 = tpu.vector_load_idx %gather3A_366[%add3A_359, %get3A_361] : memref<128x256xf32, #tpu.memory_space<vmem>>[vector<16xi32>, vector<16xi32>], vector<16xf32>,
    %swap3A_368 = arith.constant 336 : index
    %swap3A_369 = tpu.vector_load %arg9[%swap3A_368] {strides = array<i32>} : memref<512xf32, #tpu.memory_space<vmem>>, vector<16xf32>,
    tpu.vector_store %arg9[%swap3A_368], %gather3A_367 {strides = array<i32>} : memref<512xf32, #tpu.memory_space<vmem>>, vector<16xf32>,
    %add3A_370 = arith.constant 96 : i32
    %add3A_371 = vector.broadcast %add3A_370 : i32 to vector<16xi32>
    %add3A_372 = arith.addi %iota3A, %add3A_371 : vector<16xi32>
    %get3A_373 = arith.constant 352 : index
    %get3A_374 = tpu.vector_load %arg7[%get3A_373] {strides = array<i32>} : memref<512xi32, #tpu.memory_space<vmem>>, vector<16xi32>,
    %gather3A_375 = arith.constant 0 : i32
    %gather3A_376 = arith.constant 0 : i32
    %gather3A_377 = arith.constant 0 : i32
    %gather3A_378 = tpu.memref_slice %arg8[%gather3A_375, %gather3A_376, %gather3A_377] : memref<2x128x256xf32, #tpu.memory_space<vmem>> -> memref<1x128x256xf32, #tpu.memory_space<vmem>>
    %gather3A_379 = tpu.memref_squeeze %gather3A_378 : memref<1x128x256xf32, #tpu.memory_space<vmem>> -> memref<128x256xf32, #tpu.memory_space<vmem>>
    %gather3A_380 = tpu.vector_load_idx %gather3A_379[%add3A_372, %get3A_374] : memref<128x256xf32, #tpu.memory_space<vmem>>[vector<16xi32>, vector<16xi32>], vector<16xf32>,
    %swap3A_381 = arith.constant 352 : index
    %swap3A_382 = tpu.vector_load %arg9[%swap3A_381] {strides = array<i32>} : memref<512xf32, #tpu.memory_space<vmem>>, vector<16xf32>,
    tpu.vector_store %arg9[%swap3A_381], %gather3A_380 {strides = array<i32>} : memref<512xf32, #tpu.memory_space<vmem>>, vector<16xf32>,
    %add3A_383 = arith.constant 112 : i32
    %add3A_384 = vector.broadcast %add3A_383 : i32 to vector<16xi32>
    %add3A_385 = arith.addi %iota3A, %add3A_384 : vector<16xi32>
    %get3A_386 = arith.constant 368 : index
    %get3A_387 = tpu.vector_load %arg7[%get3A_386] {strides = array<i32>} : memref<512xi32, #tpu.memory_space<vmem>>, vector<16xi32>,
    %gather3A_388 = arith.constant 0 : i32
    %gather3A_389 = arith.constant 0 : i32
    %gather3A_390 = arith.constant 0 : i32
    %gather3A_391 = tpu.memref_slice %arg8[%gather3A_388, %gather3A_389, %gather3A_390] : memref<2x128x256xf32, #tpu.memory_space<vmem>> -> memref<1x128x256xf32, #tpu.memory_space<vmem>>
    %gather3A_392 = tpu.memref_squeeze %gather3A_391 : memref<1x128x256xf32, #tpu.memory_space<vmem>> -> memref<128x256xf32, #tpu.memory_space<vmem>>
    %gather3A_393 = tpu.vector_load_idx %gather3A_392[%add3A_385, %get3A_387] : memref<128x256xf32, #tpu.memory_space<vmem>>[vector<16xi32>, vector<16xi32>], vector<16xf32>,
    %swap3A_394 = arith.constant 368 : index
    %swap3A_395 = tpu.vector_load %arg9[%swap3A_394] {strides = array<i32>} : memref<512xf32, #tpu.memory_space<vmem>>, vector<16xf32>,
    tpu.vector_store %arg9[%swap3A_394], %gather3A_393 {strides = array<i32>} : memref<512xf32, #tpu.memory_space<vmem>>, vector<16xf32>,
    %dma_wait3A_396 = arith.constant 3 : i32
    %dma_wait3A_397 = arith.constant 1 : i32
    %dma_wait3A_398 = arith.constant 0 : i32
    %dma_wait3A_399 = arith.constant 0 : i32
    %dma_wait3A_400 = tpu.memref_slice %arg8[%dma_wait3A_397, %dma_wait3A_398, %dma_wait3A_399] : memref<2x128x256xf32, #tpu.memory_space<vmem>> -> memref<1x128x256xf32, #tpu.memory_space<vmem>>
    %dma_wait3A_401 = tpu.memref_squeeze %dma_wait3A_400 : memref<1x128x256xf32, #tpu.memory_space<vmem>> -> memref<128x256xf32, #tpu.memory_space<vmem>>
    %dma_wait3A_402 = arith.constant 0 : i32
    %dma_wait3A_403 = tpu.memref_slice %arg6[%dma_wait3A_396, %dma_wait3A_402] : memref<4x128xi32, #tpu.memory_space<vmem>> -> memref<1x128xi32, #tpu.memory_space<vmem>>
    %dma_wait3A_404 = tpu.memref_squeeze %dma_wait3A_403 : memref<1x128xi32, #tpu.memory_space<vmem>> -> memref<128xi32, #tpu.memory_space<vmem>>
    %dma_wait3A_405 = arith.constant 0 : i32
    %dma_wait3A_406 = arith.constant 0 : i32
    %dma_wait3A_407 = tpu.memref_slice %arg4[%dma_wait3A_405, %dma_wait3A_406] : memref<65536x256xf32, #tpu.memory_space<hbm>> -> memref<65536x256xf32, #tpu.memory_space<hbm>>
    tpu.wait_indirect_dma semaphore(%arg11 : memref<!tpu.dma_semaphore, #tpu.memory_space<semaphore_mem>>) src(%dma_wait3A_407 : memref<65536x256xf32, #tpu.memory_space<hbm>>) dst(%dma_wait3A_401 : memref<128x256xf32, #tpu.memory_space<vmem>>)
    %add3A_408 = arith.constant 0 : i32
    %add3A_409 = vector.broadcast %add3A_408 : i32 to vector<16xi32>
    %add3A_410 = arith.addi %iota3A, %add3A_409 : vector<16xi32>
    %get3A_411 = arith.constant 384 : index
    %get3A_412 = tpu.vector_load %arg7[%get3A_411] {strides = array<i32>} : memref<512xi32, #tpu.memory_space<vmem>>, vector<16xi32>,
    %gather3A_413 = arith.constant 1 : i32
    %gather3A_414 = arith.constant 0 : i32
    %gather3A_415 = arith.constant 0 : i32
    %gather3A_416 = tpu.memref_slice %arg8[%gather3A_413, %gather3A_414, %gather3A_415] : memref<2x128x256xf32, #tpu.memory_space<vmem>> -> memref<1x128x256xf32, #tpu.memory_space<vmem>>
    %gather3A_417 = tpu.memref_squeeze %gather3A_416 : memref<1x128x256xf32, #tpu.memory_space<vmem>> -> memref<128x256xf32, #tpu.memory_space<vmem>>
    %gather3A_418 = tpu.vector_load_idx %gather3A_417[%add3A_410, %get3A_412] : memref<128x256xf32, #tpu.memory_space<vmem>>[vector<16xi32>, vector<16xi32>], vector<16xf32>,
    %swap3A_419 = arith.constant 384 : index
    %swap3A_420 = tpu.vector_load %arg9[%swap3A_419] {strides = array<i32>} : memref<512xf32, #tpu.memory_space<vmem>>, vector<16xf32>,
    tpu.vector_store %arg9[%swap3A_419], %gather3A_418 {strides = array<i32>} : memref<512xf32, #tpu.memory_space<vmem>>, vector<16xf32>,
    %add3A_421 = arith.constant 16 : i32
    %add3A_422 = vector.broadcast %add3A_421 : i32 to vector<16xi32>
    %add3A_423 = arith.addi %iota3A, %add3A_422 : vector<16xi32>
    %get3A_424 = arith.constant 400 : index
    %get3A_425 = tpu.vector_load %arg7[%get3A_424] {strides = array<i32>} : memref<512xi32, #tpu.memory_space<vmem>>, vector<16xi32>,
    %gather3A_426 = arith.constant 1 : i32
    %gather3A_427 = arith.constant 0 : i32
    %gather3A_428 = arith.constant 0 : i32
    %gather3A_429 = tpu.memref_slice %arg8[%gather3A_426, %gather3A_427, %gather3A_428] : memref<2x128x256xf32, #tpu.memory_space<vmem>> -> memref<1x128x256xf32, #tpu.memory_space<vmem>>
    %gather3A_430 = tpu.memref_squeeze %gather3A_429 : memref<1x128x256xf32, #tpu.memory_space<vmem>> -> memref<128x256xf32, #tpu.memory_space<vmem>>
    %gather3A_431 = tpu.vector_load_idx %gather3A_430[%add3A_423, %get3A_425] : memref<128x256xf32, #tpu.memory_space<vmem>>[vector<16xi32>, vector<16xi32>], vector<16xf32>,
    %swap3A_432 = arith.constant 400 : index
    %swap3A_433 = tpu.vector_load %arg9[%swap3A_432] {strides = array<i32>} : memref<512xf32, #tpu.memory_space<vmem>>, vector<16xf32>,
    tpu.vector_store %arg9[%swap3A_432], %gather3A_431 {strides = array<i32>} : memref<512xf32, #tpu.memory_space<vmem>>, vector<16xf32>,
    %add3A_434 = arith.constant 32 : i32
    %add3A_435 = vector.broadcast %add3A_434 : i32 to vector<16xi32>
    %add3A_436 = arith.addi %iota3A, %add3A_435 : vector<16xi32>
    %get3A_437 = arith.constant 416 : index
    %get3A_438 = tpu.vector_load %arg7[%get3A_437] {strides = array<i32>} : memref<512xi32, #tpu.memory_space<vmem>>, vector<16xi32>,
    %gather3A_439 = arith.constant 1 : i32
    %gather3A_440 = arith.constant 0 : i32
    %gather3A_441 = arith.constant 0 : i32
    %gather3A_442 = tpu.memref_slice %arg8[%gather3A_439, %gather3A_440, %gather3A_441] : memref<2x128x256xf32, #tpu.memory_space<vmem>> -> memref<1x128x256xf32, #tpu.memory_space<vmem>>
    %gather3A_443 = tpu.memref_squeeze %gather3A_442 : memref<1x128x256xf32, #tpu.memory_space<vmem>> -> memref<128x256xf32, #tpu.memory_space<vmem>>
    %gather3A_444 = tpu.vector_load_idx %gather3A_443[%add3A_436, %get3A_438] : memref<128x256xf32, #tpu.memory_space<vmem>>[vector<16xi32>, vector<16xi32>], vector<16xf32>,
    %swap3A_445 = arith.constant 416 : index
    %swap3A_446 = tpu.vector_load %arg9[%swap3A_445] {strides = array<i32>} : memref<512xf32, #tpu.memory_space<vmem>>, vector<16xf32>,
    tpu.vector_store %arg9[%swap3A_445], %gather3A_444 {strides = array<i32>} : memref<512xf32, #tpu.memory_space<vmem>>, vector<16xf32>,
    %add3A_447 = arith.constant 48 : i32
    %add3A_448 = vector.broadcast %add3A_447 : i32 to vector<16xi32>
    %add3A_449 = arith.addi %iota3A, %add3A_448 : vector<16xi32>
    %get3A_450 = arith.constant 432 : index
    %get3A_451 = tpu.vector_load %arg7[%get3A_450] {strides = array<i32>} : memref<512xi32, #tpu.memory_space<vmem>>, vector<16xi32>,
    %gather3A_452 = arith.constant 1 : i32
    %gather3A_453 = arith.constant 0 : i32
    %gather3A_454 = arith.constant 0 : i32
    %gather3A_455 = tpu.memref_slice %arg8[%gather3A_452, %gather3A_453, %gather3A_454] : memref<2x128x256xf32, #tpu.memory_space<vmem>> -> memref<1x128x256xf32, #tpu.memory_space<vmem>>
    %gather3A_456 = tpu.memref_squeeze %gather3A_455 : memref<1x128x256xf32, #tpu.memory_space<vmem>> -> memref<128x256xf32, #tpu.memory_space<vmem>>
    %gather3A_457 = tpu.vector_load_idx %gather3A_456[%add3A_449, %get3A_451] : memref<128x256xf32, #tpu.memory_space<vmem>>[vector<16xi32>, vector<16xi32>], vector<16xf32>,
    %swap3A_458 = arith.constant 432 : index
    %swap3A_459 = tpu.vector_load %arg9[%swap3A_458] {strides = array<i32>} : memref<512xf32, #tpu.memory_space<vmem>>, vector<16xf32>,
    tpu.vector_store %arg9[%swap3A_458], %gather3A_457 {strides = array<i32>} : memref<512xf32, #tpu.memory_space<vmem>>, vector<16xf32>,
    %add3A_460 = arith.constant 64 : i32
    %add3A_461 = vector.broadcast %add3A_460 : i32 to vector<16xi32>
    %add3A_462 = arith.addi %iota3A, %add3A_461 : vector<16xi32>
    %get3A_463 = arith.constant 448 : index
    %get3A_464 = tpu.vector_load %arg7[%get3A_463] {strides = array<i32>} : memref<512xi32, #tpu.memory_space<vmem>>, vector<16xi32>,
    %gather3A_465 = arith.constant 1 : i32
    %gather3A_466 = arith.constant 0 : i32
    %gather3A_467 = arith.constant 0 : i32
    %gather3A_468 = tpu.memref_slice %arg8[%gather3A_465, %gather3A_466, %gather3A_467] : memref<2x128x256xf32, #tpu.memory_space<vmem>> -> memref<1x128x256xf32, #tpu.memory_space<vmem>>
    %gather3A_469 = tpu.memref_squeeze %gather3A_468 : memref<1x128x256xf32, #tpu.memory_space<vmem>> -> memref<128x256xf32, #tpu.memory_space<vmem>>
    %gather3A_470 = tpu.vector_load_idx %gather3A_469[%add3A_462, %get3A_464] : memref<128x256xf32, #tpu.memory_space<vmem>>[vector<16xi32>, vector<16xi32>], vector<16xf32>,
    %swap3A_471 = arith.constant 448 : index
    %swap3A_472 = tpu.vector_load %arg9[%swap3A_471] {strides = array<i32>} : memref<512xf32, #tpu.memory_space<vmem>>, vector<16xf32>,
    tpu.vector_store %arg9[%swap3A_471], %gather3A_470 {strides = array<i32>} : memref<512xf32, #tpu.memory_space<vmem>>, vector<16xf32>,
    %add3A_473 = arith.constant 80 : i32
    %add3A_474 = vector.broadcast %add3A_473 : i32 to vector<16xi32>
    %add3A_475 = arith.addi %iota3A, %add3A_474 : vector<16xi32>
    %get3A_476 = arith.constant 464 : index
    %get3A_477 = tpu.vector_load %arg7[%get3A_476] {strides = array<i32>} : memref<512xi32, #tpu.memory_space<vmem>>, vector<16xi32>,
    %gather3A_478 = arith.constant 1 : i32
    %gather3A_479 = arith.constant 0 : i32
    %gather3A_480 = arith.constant 0 : i32
    %gather3A_481 = tpu.memref_slice %arg8[%gather3A_478, %gather3A_479, %gather3A_480] : memref<2x128x256xf32, #tpu.memory_space<vmem>> -> memref<1x128x256xf32, #tpu.memory_space<vmem>>
    %gather3A_482 = tpu.memref_squeeze %gather3A_481 : memref<1x128x256xf32, #tpu.memory_space<vmem>> -> memref<128x256xf32, #tpu.memory_space<vmem>>
    %gather3A_483 = tpu.vector_load_idx %gather3A_482[%add3A_475, %get3A_477] : memref<128x256xf32, #tpu.memory_space<vmem>>[vector<16xi32>, vector<16xi32>], vector<16xf32>,
    %swap3A_484 = arith.constant 464 : index
    %swap3A_485 = tpu.vector_load %arg9[%swap3A_484] {strides = array<i32>} : memref<512xf32, #tpu.memory_space<vmem>>, vector<16xf32>,
    tpu.vector_store %arg9[%swap3A_484], %gather3A_483 {strides = array<i32>} : memref<512xf32, #tpu.memory_space<vmem>>, vector<16xf32>,
    %add3A_486 = arith.constant 96 : i32
    %add3A_487 = vector.broadcast %add3A_486 : i32 to vector<16xi32>
    %add3A_488 = arith.addi %iota3A, %add3A_487 : vector<16xi32>
    %get3A_489 = arith.constant 480 : index
    %get3A_490 = tpu.vector_load %arg7[%get3A_489] {strides = array<i32>} : memref<512xi32, #tpu.memory_space<vmem>>, vector<16xi32>,
    %gather3A_491 = arith.constant 1 : i32
    %gather3A_492 = arith.constant 0 : i32
    %gather3A_493 = arith.constant 0 : i32
    %gather3A_494 = tpu.memref_slice %arg8[%gather3A_491, %gather3A_492, %gather3A_493] : memref<2x128x256xf32, #tpu.memory_space<vmem>> -> memref<1x128x256xf32, #tpu.memory_space<vmem>>
    %gather3A_495 = tpu.memref_squeeze %gather3A_494 : memref<1x128x256xf32, #tpu.memory_space<vmem>> -> memref<128x256xf32, #tpu.memory_space<vmem>>
    %gather3A_496 = tpu.vector_load_idx %gather3A_495[%add3A_488, %get3A_490] : memref<128x256xf32, #tpu.memory_space<vmem>>[vector<16xi32>, vector<16xi32>], vector<16xf32>,
    %swap3A_497 = arith.constant 480 : index
    %swap3A_498 = tpu.vector_load %arg9[%swap3A_497] {strides = array<i32>} : memref<512xf32, #tpu.memory_space<vmem>>, vector<16xf32>,
    tpu.vector_store %arg9[%swap3A_497], %gather3A_496 {strides = array<i32>} : memref<512xf32, #tpu.memory_space<vmem>>, vector<16xf32>,
    %add3A_499 = arith.constant 112 : i32
    %add3A_500 = vector.broadcast %add3A_499 : i32 to vector<16xi32>
    %add3A_501 = arith.addi %iota3A, %add3A_500 : vector<16xi32>
    %get3A_502 = arith.constant 496 : index
    %get3A_503 = tpu.vector_load %arg7[%get3A_502] {strides = array<i32>} : memref<512xi32, #tpu.memory_space<vmem>>, vector<16xi32>,
    %gather3A_504 = arith.constant 1 : i32
    %gather3A_505 = arith.constant 0 : i32
    %gather3A_506 = arith.constant 0 : i32
    %gather3A_507 = tpu.memref_slice %arg8[%gather3A_504, %gather3A_505, %gather3A_506] : memref<2x128x256xf32, #tpu.memory_space<vmem>> -> memref<1x128x256xf32, #tpu.memory_space<vmem>>
    %gather3A_508 = tpu.memref_squeeze %gather3A_507 : memref<1x128x256xf32, #tpu.memory_space<vmem>> -> memref<128x256xf32, #tpu.memory_space<vmem>>
    %gather3A_509 = tpu.vector_load_idx %gather3A_508[%add3A_501, %get3A_503] : memref<128x256xf32, #tpu.memory_space<vmem>>[vector<16xi32>, vector<16xi32>], vector<16xf32>,
    %swap3A_510 = arith.constant 496 : index
    %swap3A_511 = tpu.vector_load %arg9[%swap3A_510] {strides = array<i32>} : memref<512xf32, #tpu.memory_space<vmem>>, vector<16xf32>,
    tpu.vector_store %arg9[%swap3A_510], %gather3A_509 {strides = array<i32>} : memref<512xf32, #tpu.memory_space<vmem>>, vector<16xf32>,
    %mul3A_512 = arith.constant 512 : i32
    %mul3A_513 = arith.muli %add3A, %mul3A_512 : i32
    "tpu.region"() ({
      %run_scoped3A = tpu.sem_alloc : memref<!tpu.dma_semaphore, #tpu.memory_space<semaphore_mem>>
      %dma_start3A_514 = tpu.memref_slice %arg5[%mul3A_513] : memref<16384xf32, #tpu.memory_space<hbm>> -> memref<512xf32, #tpu.memory_space<hbm>>
      %dma_start3A_515 = tpu.memref_slice %arg5[%mul3A_513] : memref<16384xf32, #tpu.memory_space<hbm>> -> memref<512xf32, #tpu.memory_space<hbm>>
      tpu.enqueue_dma source(%arg9 : memref<512xf32, #tpu.memory_space<vmem>>) target(%dma_start3A_515 : memref<512xf32, #tpu.memory_space<hbm>>) target_semaphore(%run_scoped3A : memref<!tpu.dma_semaphore, #tpu.memory_space<semaphore_mem>>)
      %dma_wait3A_516 = tpu.memref_slice %arg5[%mul3A_513] : memref<16384xf32, #tpu.memory_space<hbm>> -> memref<512xf32, #tpu.memory_space<hbm>>
      %dma_wait3A_517 = tpu.memref_slice %arg5[%mul3A_513] : memref<16384xf32, #tpu.memory_space<hbm>> -> memref<512xf32, #tpu.memory_space<hbm>>
      tpu.wait_dma2 semaphore(%run_scoped3A : memref<!tpu.dma_semaphore, #tpu.memory_space<semaphore_mem>>) src(%arg9 : memref<512xf32, #tpu.memory_space<vmem>>) dst(%dma_wait3A_517 : memref<512xf32, #tpu.memory_space<hbm>>)
      tpu.yield
    }) : () -> ()
    return
  }
}

module attributes {stable_mosaic.version = 14 : i64} {
  func.func @_tc_am_body(%arg0: i32, %arg1: memref<16384x2x256xf32, #tpu.memory_space<any>>, %arg2: memref<8x128xi32, #tpu.memory_space<vmem>>, %arg3: memref<2x2x1024x256xf32, #tpu.memory_space<vmem>>, %arg4: memref<2x8x!tpu.dma_semaphore, #tpu.memory_space<semaphore_mem>>) attributes {dimension_semantics = [#tpu.dimension_semantics<arbitrary>], iteration_bounds = array<i64: 16>, scalar_prefetch = 0 : i64, scratch_operands = 2 : i64, tpu.core_type = #tpu.core_type<tc>, window_params = [{}, {transform_indices = @transform_1, window_bounds = array<i64: 8, 128>}]} {
    %eq3A = arith.constant 0 : i32
    %eq3A_0 = arith.cmpi eq, %arg0, %eq3A : i32
    %convert_element_type3A = arith.extui %eq3A_0 : i1 to i32
    %cond3A = arith.constant 0 : i32
    %cond3A_1 = arith.cmpi ne, %convert_element_type3A, %cond3A : i32
    scf.if %cond3A_1 {
      %dma_start3A = arith.constant 0 : i32
      %dma_start3A_165 = arith.constant 0 : i32
      %dma_start3A_166 = arith.constant 0 : i32
      %dma_start3A_167 = arith.constant 0 : i32
      %dma_start3A_168 = arith.constant 0 : i32
      %dma_start3A_169 = tpu.memref_slice %arg4[%dma_start3A_167, %dma_start3A_168] : memref<2x8x!tpu.dma_semaphore, #tpu.memory_space<semaphore_mem>> -> memref<1x1x!tpu.dma_semaphore, #tpu.memory_space<semaphore_mem>>
      %dma_start3A_170 = tpu.memref_squeeze %dma_start3A_169 : memref<1x1x!tpu.dma_semaphore, #tpu.memory_space<semaphore_mem>> -> memref<!tpu.dma_semaphore, #tpu.memory_space<semaphore_mem>>
      %dma_start3A_171 = arith.constant 0 : i32
      %dma_start3A_172 = arith.constant 0 : i32
      %dma_start3A_173 = tpu.memref_slice %arg3[%dma_start3A_165, %dma_start3A_166, %dma_start3A_171, %dma_start3A_172] : memref<2x2x1024x256xf32, #tpu.memory_space<vmem>> -> memref<1x1x256x256xf32, #tpu.memory_space<vmem>>
      %dma_start3A_174 = tpu.memref_squeeze %dma_start3A_173 : memref<1x1x256x256xf32, #tpu.memory_space<vmem>> -> memref<256x256xf32, #tpu.memory_space<vmem>>
      %dma_start3A_175 = arith.constant 0 : i32
      %dma_start3A_176 = arith.constant 0 : i32
      %dma_start3A_177 = tpu.memref_slice %arg1[%dma_start3A_175, %dma_start3A, %dma_start3A_176] : memref<16384x2x256xf32, #tpu.memory_space<any>> -> memref<256x1x256xf32, #tpu.memory_space<any>>
      %dma_start3A_178 = tpu.memref_squeeze %dma_start3A_177 : memref<256x1x256xf32, #tpu.memory_space<any>> -> memref<256x256xf32, #tpu.memory_space<any>>
      tpu.enqueue_dma source(%dma_start3A_178 : memref<256x256xf32, #tpu.memory_space<any>>) target(%dma_start3A_174 : memref<256x256xf32, #tpu.memory_space<vmem>>) target_semaphore(%dma_start3A_170 : memref<!tpu.dma_semaphore, #tpu.memory_space<semaphore_mem>>)
      %dma_start3A_179 = arith.constant 0 : i32
      %dma_start3A_180 = arith.constant 0 : i32
      %dma_start3A_181 = arith.constant 0 : i32
      %dma_start3A_182 = arith.constant 0 : i32
      %dma_start3A_183 = arith.constant 1 : i32
      %dma_start3A_184 = tpu.memref_slice %arg4[%dma_start3A_182, %dma_start3A_183] : memref<2x8x!tpu.dma_semaphore, #tpu.memory_space<semaphore_mem>> -> memref<1x1x!tpu.dma_semaphore, #tpu.memory_space<semaphore_mem>>
      %dma_start3A_185 = tpu.memref_squeeze %dma_start3A_184 : memref<1x1x!tpu.dma_semaphore, #tpu.memory_space<semaphore_mem>> -> memref<!tpu.dma_semaphore, #tpu.memory_space<semaphore_mem>>
      %dma_start3A_186 = arith.constant 256 : i32
      %dma_start3A_187 = arith.constant 0 : i32
      %dma_start3A_188 = tpu.memref_slice %arg3[%dma_start3A_180, %dma_start3A_181, %dma_start3A_186, %dma_start3A_187] : memref<2x2x1024x256xf32, #tpu.memory_space<vmem>> -> memref<1x1x256x256xf32, #tpu.memory_space<vmem>>
      %dma_start3A_189 = tpu.memref_squeeze %dma_start3A_188 : memref<1x1x256x256xf32, #tpu.memory_space<vmem>> -> memref<256x256xf32, #tpu.memory_space<vmem>>
      %dma_start3A_190 = arith.constant 256 : i32
      %dma_start3A_191 = arith.constant 0 : i32
      %dma_start3A_192 = tpu.memref_slice %arg1[%dma_start3A_190, %dma_start3A_179, %dma_start3A_191] : memref<16384x2x256xf32, #tpu.memory_space<any>> -> memref<256x1x256xf32, #tpu.memory_space<any>>
      %dma_start3A_193 = tpu.memref_squeeze %dma_start3A_192 : memref<256x1x256xf32, #tpu.memory_space<any>> -> memref<256x256xf32, #tpu.memory_space<any>>
      tpu.enqueue_dma source(%dma_start3A_193 : memref<256x256xf32, #tpu.memory_space<any>>) target(%dma_start3A_189 : memref<256x256xf32, #tpu.memory_space<vmem>>) target_semaphore(%dma_start3A_185 : memref<!tpu.dma_semaphore, #tpu.memory_space<semaphore_mem>>)
      %dma_start3A_194 = arith.constant 0 : i32
      %dma_start3A_195 = arith.constant 0 : i32
      %dma_start3A_196 = arith.constant 0 : i32
      %dma_start3A_197 = arith.constant 0 : i32
      %dma_start3A_198 = arith.constant 2 : i32
      %dma_start3A_199 = tpu.memref_slice %arg4[%dma_start3A_197, %dma_start3A_198] : memref<2x8x!tpu.dma_semaphore, #tpu.memory_space<semaphore_mem>> -> memref<1x1x!tpu.dma_semaphore, #tpu.memory_space<semaphore_mem>>
      %dma_start3A_200 = tpu.memref_squeeze %dma_start3A_199 : memref<1x1x!tpu.dma_semaphore, #tpu.memory_space<semaphore_mem>> -> memref<!tpu.dma_semaphore, #tpu.memory_space<semaphore_mem>>
      %dma_start3A_201 = arith.constant 512 : i32
      %dma_start3A_202 = arith.constant 0 : i32
      %dma_start3A_203 = tpu.memref_slice %arg3[%dma_start3A_195, %dma_start3A_196, %dma_start3A_201, %dma_start3A_202] : memref<2x2x1024x256xf32, #tpu.memory_space<vmem>> -> memref<1x1x256x256xf32, #tpu.memory_space<vmem>>
      %dma_start3A_204 = tpu.memref_squeeze %dma_start3A_203 : memref<1x1x256x256xf32, #tpu.memory_space<vmem>> -> memref<256x256xf32, #tpu.memory_space<vmem>>
      %dma_start3A_205 = arith.constant 512 : i32
      %dma_start3A_206 = arith.constant 0 : i32
      %dma_start3A_207 = tpu.memref_slice %arg1[%dma_start3A_205, %dma_start3A_194, %dma_start3A_206] : memref<16384x2x256xf32, #tpu.memory_space<any>> -> memref<256x1x256xf32, #tpu.memory_space<any>>
      %dma_start3A_208 = tpu.memref_squeeze %dma_start3A_207 : memref<256x1x256xf32, #tpu.memory_space<any>> -> memref<256x256xf32, #tpu.memory_space<any>>
      tpu.enqueue_dma source(%dma_start3A_208 : memref<256x256xf32, #tpu.memory_space<any>>) target(%dma_start3A_204 : memref<256x256xf32, #tpu.memory_space<vmem>>) target_semaphore(%dma_start3A_200 : memref<!tpu.dma_semaphore, #tpu.memory_space<semaphore_mem>>)
      %dma_start3A_209 = arith.constant 0 : i32
      %dma_start3A_210 = arith.constant 0 : i32
      %dma_start3A_211 = arith.constant 0 : i32
      %dma_start3A_212 = arith.constant 0 : i32
      %dma_start3A_213 = arith.constant 3 : i32
      %dma_start3A_214 = tpu.memref_slice %arg4[%dma_start3A_212, %dma_start3A_213] : memref<2x8x!tpu.dma_semaphore, #tpu.memory_space<semaphore_mem>> -> memref<1x1x!tpu.dma_semaphore, #tpu.memory_space<semaphore_mem>>
      %dma_start3A_215 = tpu.memref_squeeze %dma_start3A_214 : memref<1x1x!tpu.dma_semaphore, #tpu.memory_space<semaphore_mem>> -> memref<!tpu.dma_semaphore, #tpu.memory_space<semaphore_mem>>
      %dma_start3A_216 = arith.constant 768 : i32
      %dma_start3A_217 = arith.constant 0 : i32
      %dma_start3A_218 = tpu.memref_slice %arg3[%dma_start3A_210, %dma_start3A_211, %dma_start3A_216, %dma_start3A_217] : memref<2x2x1024x256xf32, #tpu.memory_space<vmem>> -> memref<1x1x256x256xf32, #tpu.memory_space<vmem>>
      %dma_start3A_219 = tpu.memref_squeeze %dma_start3A_218 : memref<1x1x256x256xf32, #tpu.memory_space<vmem>> -> memref<256x256xf32, #tpu.memory_space<vmem>>
      %dma_start3A_220 = arith.constant 768 : i32
      %dma_start3A_221 = arith.constant 0 : i32
      %dma_start3A_222 = tpu.memref_slice %arg1[%dma_start3A_220, %dma_start3A_209, %dma_start3A_221] : memref<16384x2x256xf32, #tpu.memory_space<any>> -> memref<256x1x256xf32, #tpu.memory_space<any>>
      %dma_start3A_223 = tpu.memref_squeeze %dma_start3A_222 : memref<256x1x256xf32, #tpu.memory_space<any>> -> memref<256x256xf32, #tpu.memory_space<any>>
      tpu.enqueue_dma source(%dma_start3A_223 : memref<256x256xf32, #tpu.memory_space<any>>) target(%dma_start3A_219 : memref<256x256xf32, #tpu.memory_space<vmem>>) target_semaphore(%dma_start3A_215 : memref<!tpu.dma_semaphore, #tpu.memory_space<semaphore_mem>>)
      %dma_start3A_224 = arith.constant 1 : i32
      %dma_start3A_225 = arith.constant 0 : i32
      %dma_start3A_226 = arith.constant 1 : i32
      %dma_start3A_227 = arith.constant 0 : i32
      %dma_start3A_228 = arith.constant 4 : i32
      %dma_start3A_229 = tpu.memref_slice %arg4[%dma_start3A_227, %dma_start3A_228] : memref<2x8x!tpu.dma_semaphore, #tpu.memory_space<semaphore_mem>> -> memref<1x1x!tpu.dma_semaphore, #tpu.memory_space<semaphore_mem>>
      %dma_start3A_230 = tpu.memref_squeeze %dma_start3A_229 : memref<1x1x!tpu.dma_semaphore, #tpu.memory_space<semaphore_mem>> -> memref<!tpu.dma_semaphore, #tpu.memory_space<semaphore_mem>>
      %dma_start3A_231 = arith.constant 0 : i32
      %dma_start3A_232 = arith.constant 0 : i32
      %dma_start3A_233 = tpu.memref_slice %arg3[%dma_start3A_225, %dma_start3A_226, %dma_start3A_231, %dma_start3A_232] : memref<2x2x1024x256xf32, #tpu.memory_space<vmem>> -> memref<1x1x256x256xf32, #tpu.memory_space<vmem>>
      %dma_start3A_234 = tpu.memref_squeeze %dma_start3A_233 : memref<1x1x256x256xf32, #tpu.memory_space<vmem>> -> memref<256x256xf32, #tpu.memory_space<vmem>>
      %dma_start3A_235 = arith.constant 0 : i32
      %dma_start3A_236 = arith.constant 0 : i32
      %dma_start3A_237 = tpu.memref_slice %arg1[%dma_start3A_235, %dma_start3A_224, %dma_start3A_236] : memref<16384x2x256xf32, #tpu.memory_space<any>> -> memref<256x1x256xf32, #tpu.memory_space<any>>
      %dma_start3A_238 = tpu.memref_squeeze %dma_start3A_237 : memref<256x1x256xf32, #tpu.memory_space<any>> -> memref<256x256xf32, #tpu.memory_space<any>>
      tpu.enqueue_dma source(%dma_start3A_238 : memref<256x256xf32, #tpu.memory_space<any>>) target(%dma_start3A_234 : memref<256x256xf32, #tpu.memory_space<vmem>>) target_semaphore(%dma_start3A_230 : memref<!tpu.dma_semaphore, #tpu.memory_space<semaphore_mem>>)
      %dma_start3A_239 = arith.constant 1 : i32
      %dma_start3A_240 = arith.constant 0 : i32
      %dma_start3A_241 = arith.constant 1 : i32
      %dma_start3A_242 = arith.constant 0 : i32
      %dma_start3A_243 = arith.constant 5 : i32
      %dma_start3A_244 = tpu.memref_slice %arg4[%dma_start3A_242, %dma_start3A_243] : memref<2x8x!tpu.dma_semaphore, #tpu.memory_space<semaphore_mem>> -> memref<1x1x!tpu.dma_semaphore, #tpu.memory_space<semaphore_mem>>
      %dma_start3A_245 = tpu.memref_squeeze %dma_start3A_244 : memref<1x1x!tpu.dma_semaphore, #tpu.memory_space<semaphore_mem>> -> memref<!tpu.dma_semaphore, #tpu.memory_space<semaphore_mem>>
      %dma_start3A_246 = arith.constant 256 : i32
      %dma_start3A_247 = arith.constant 0 : i32
      %dma_start3A_248 = tpu.memref_slice %arg3[%dma_start3A_240, %dma_start3A_241, %dma_start3A_246, %dma_start3A_247] : memref<2x2x1024x256xf32, #tpu.memory_space<vmem>> -> memref<1x1x256x256xf32, #tpu.memory_space<vmem>>
      %dma_start3A_249 = tpu.memref_squeeze %dma_start3A_248 : memref<1x1x256x256xf32, #tpu.memory_space<vmem>> -> memref<256x256xf32, #tpu.memory_space<vmem>>
      %dma_start3A_250 = arith.constant 256 : i32
      %dma_start3A_251 = arith.constant 0 : i32
      %dma_start3A_252 = tpu.memref_slice %arg1[%dma_start3A_250, %dma_start3A_239, %dma_start3A_251] : memref<16384x2x256xf32, #tpu.memory_space<any>> -> memref<256x1x256xf32, #tpu.memory_space<any>>
      %dma_start3A_253 = tpu.memref_squeeze %dma_start3A_252 : memref<256x1x256xf32, #tpu.memory_space<any>> -> memref<256x256xf32, #tpu.memory_space<any>>
      tpu.enqueue_dma source(%dma_start3A_253 : memref<256x256xf32, #tpu.memory_space<any>>) target(%dma_start3A_249 : memref<256x256xf32, #tpu.memory_space<vmem>>) target_semaphore(%dma_start3A_245 : memref<!tpu.dma_semaphore, #tpu.memory_space<semaphore_mem>>)
      %dma_start3A_254 = arith.constant 1 : i32
      %dma_start3A_255 = arith.constant 0 : i32
      %dma_start3A_256 = arith.constant 1 : i32
      %dma_start3A_257 = arith.constant 0 : i32
      %dma_start3A_258 = arith.constant 6 : i32
      %dma_start3A_259 = tpu.memref_slice %arg4[%dma_start3A_257, %dma_start3A_258] : memref<2x8x!tpu.dma_semaphore, #tpu.memory_space<semaphore_mem>> -> memref<1x1x!tpu.dma_semaphore, #tpu.memory_space<semaphore_mem>>
      %dma_start3A_260 = tpu.memref_squeeze %dma_start3A_259 : memref<1x1x!tpu.dma_semaphore, #tpu.memory_space<semaphore_mem>> -> memref<!tpu.dma_semaphore, #tpu.memory_space<semaphore_mem>>
      %dma_start3A_261 = arith.constant 512 : i32
      %dma_start3A_262 = arith.constant 0 : i32
      %dma_start3A_263 = tpu.memref_slice %arg3[%dma_start3A_255, %dma_start3A_256, %dma_start3A_261, %dma_start3A_262] : memref<2x2x1024x256xf32, #tpu.memory_space<vmem>> -> memref<1x1x256x256xf32, #tpu.memory_space<vmem>>
      %dma_start3A_264 = tpu.memref_squeeze %dma_start3A_263 : memref<1x1x256x256xf32, #tpu.memory_space<vmem>> -> memref<256x256xf32, #tpu.memory_space<vmem>>
      %dma_start3A_265 = arith.constant 512 : i32
      %dma_start3A_266 = arith.constant 0 : i32
      %dma_start3A_267 = tpu.memref_slice %arg1[%dma_start3A_265, %dma_start3A_254, %dma_start3A_266] : memref<16384x2x256xf32, #tpu.memory_space<any>> -> memref<256x1x256xf32, #tpu.memory_space<any>>
      %dma_start3A_268 = tpu.memref_squeeze %dma_start3A_267 : memref<256x1x256xf32, #tpu.memory_space<any>> -> memref<256x256xf32, #tpu.memory_space<any>>
      tpu.enqueue_dma source(%dma_start3A_268 : memref<256x256xf32, #tpu.memory_space<any>>) target(%dma_start3A_264 : memref<256x256xf32, #tpu.memory_space<vmem>>) target_semaphore(%dma_start3A_260 : memref<!tpu.dma_semaphore, #tpu.memory_space<semaphore_mem>>)
      %dma_start3A_269 = arith.constant 1 : i32
      %dma_start3A_270 = arith.constant 0 : i32
      %dma_start3A_271 = arith.constant 1 : i32
      %dma_start3A_272 = arith.constant 0 : i32
      %dma_start3A_273 = arith.constant 7 : i32
      %dma_start3A_274 = tpu.memref_slice %arg4[%dma_start3A_272, %dma_start3A_273] : memref<2x8x!tpu.dma_semaphore, #tpu.memory_space<semaphore_mem>> -> memref<1x1x!tpu.dma_semaphore, #tpu.memory_space<semaphore_mem>>
      %dma_start3A_275 = tpu.memref_squeeze %dma_start3A_274 : memref<1x1x!tpu.dma_semaphore, #tpu.memory_space<semaphore_mem>> -> memref<!tpu.dma_semaphore, #tpu.memory_space<semaphore_mem>>
      %dma_start3A_276 = arith.constant 768 : i32
      %dma_start3A_277 = arith.constant 0 : i32
      %dma_start3A_278 = tpu.memref_slice %arg3[%dma_start3A_270, %dma_start3A_271, %dma_start3A_276, %dma_start3A_277] : memref<2x2x1024x256xf32, #tpu.memory_space<vmem>> -> memref<1x1x256x256xf32, #tpu.memory_space<vmem>>
      %dma_start3A_279 = tpu.memref_squeeze %dma_start3A_278 : memref<1x1x256x256xf32, #tpu.memory_space<vmem>> -> memref<256x256xf32, #tpu.memory_space<vmem>>
      %dma_start3A_280 = arith.constant 768 : i32
      %dma_start3A_281 = arith.constant 0 : i32
      %dma_start3A_282 = tpu.memref_slice %arg1[%dma_start3A_280, %dma_start3A_269, %dma_start3A_281] : memref<16384x2x256xf32, #tpu.memory_space<any>> -> memref<256x1x256xf32, #tpu.memory_space<any>>
      %dma_start3A_283 = tpu.memref_squeeze %dma_start3A_282 : memref<256x1x256xf32, #tpu.memory_space<any>> -> memref<256x256xf32, #tpu.memory_space<any>>
      tpu.enqueue_dma source(%dma_start3A_283 : memref<256x256xf32, #tpu.memory_space<any>>) target(%dma_start3A_279 : memref<256x256xf32, #tpu.memory_space<vmem>>) target_semaphore(%dma_start3A_275 : memref<!tpu.dma_semaphore, #tpu.memory_space<semaphore_mem>>)
    } else {
    }
    %add3A = arith.constant 1 : i32
    %add3A_2 = arith.addi %arg0, %add3A : i32
    %lt3A = arith.constant 16 : i32
    %lt3A_3 = arith.cmpi slt, %add3A_2, %lt3A : i32
    %convert_element_type3A_4 = arith.extui %lt3A_3 : i1 to i32
    %cond3A_5 = arith.constant 0 : i32
    %cond3A_6 = arith.cmpi ne, %convert_element_type3A_4, %cond3A_5 : i32
    scf.if %cond3A_6 {
      %add3A_165 = arith.constant 1 : i32
      %add3A_166 = arith.addi %arg0, %add3A_165 : i32
      %add3A_167 = arith.constant 1 : i32
      %add3A_168 = arith.addi %arg0, %add3A_167 : i32
      %jit3A_169 = arith.constant 2 : i32
      %eq3A_170 = arith.constant 0 : i32
      %eq3A_171 = arith.cmpi eq, %jit3A_169, %eq3A_170 : i32
      %jit3A_172 = arith.constant 1 : i32
      %select_n3A_173 = arith.select %eq3A_171, %jit3A_172, %jit3A_169 : i32
      %rem3A_174 = arith.remsi %add3A_168, %select_n3A_173 : i32
      %ne3A_175 = arith.constant 0 : i32
      %ne3A_176 = arith.cmpi ne, %rem3A_174, %ne3A_175 : i32
      %lt3A_177 = arith.constant 0 : i32
      %lt3A_178 = arith.cmpi slt, %rem3A_174, %lt3A_177 : i32
      %lt3A_179 = arith.constant 0 : i32
      %lt3A_180 = arith.cmpi slt, %select_n3A_173, %lt3A_179 : i32
      %ne3A_181 = arith.xori %lt3A_178, %lt3A_180 : i1
      %and3A_182 = arith.andi %ne3A_181, %ne3A_176 : i1
      %add3A_183 = arith.addi %rem3A_174, %select_n3A_173 : i32
      %select_n3A_184 = arith.select %and3A_182, %add3A_183, %rem3A_174 : i32
      %mul3A_185 = arith.constant 1024 : i32
      %mul3A_186 = arith.muli %add3A_166, %mul3A_185 : i32
      %add3A_187 = arith.constant 0 : i32
      %add3A_188 = arith.addi %mul3A_186, %add3A_187 : i32
      %add3A_189 = arith.constant 256 : i32
      %add3A_190 = arith.addi %mul3A_186, %add3A_189 : i32
      %add3A_191 = arith.constant 512 : i32
      %add3A_192 = arith.addi %mul3A_186, %add3A_191 : i32
      %add3A_193 = arith.constant 768 : i32
      %add3A_194 = arith.addi %mul3A_186, %add3A_193 : i32
      %add3A_195 = arith.constant 0 : i32
      %add3A_196 = arith.addi %mul3A_186, %add3A_195 : i32
      %add3A_197 = arith.constant 256 : i32
      %add3A_198 = arith.addi %mul3A_186, %add3A_197 : i32
      %add3A_199 = arith.constant 512 : i32
      %add3A_200 = arith.addi %mul3A_186, %add3A_199 : i32
      %add3A_201 = arith.constant 768 : i32
      %add3A_202 = arith.addi %mul3A_186, %add3A_201 : i32
      %dma_start3A = arith.constant 0 : i32
      %dma_start3A_203 = arith.constant 0 : i32
      %dma_start3A_204 = arith.constant 0 : i32
      %dma_start3A_205 = tpu.memref_slice %arg4[%select_n3A_184, %dma_start3A_204] : memref<2x8x!tpu.dma_semaphore, #tpu.memory_space<semaphore_mem>> -> memref<1x1x!tpu.dma_semaphore, #tpu.memory_space<semaphore_mem>>
      %dma_start3A_206 = tpu.memref_squeeze %dma_start3A_205 : memref<1x1x!tpu.dma_semaphore, #tpu.memory_space<semaphore_mem>> -> memref<!tpu.dma_semaphore, #tpu.memory_space<semaphore_mem>>
      %dma_start3A_207 = arith.constant 0 : i32
      %dma_start3A_208 = arith.constant 0 : i32
      %dma_start3A_209 = tpu.memref_slice %arg3[%select_n3A_184, %dma_start3A_203, %dma_start3A_207, %dma_start3A_208] : memref<2x2x1024x256xf32, #tpu.memory_space<vmem>> -> memref<1x1x256x256xf32, #tpu.memory_space<vmem>>
      %dma_start3A_210 = tpu.memref_squeeze %dma_start3A_209 : memref<1x1x256x256xf32, #tpu.memory_space<vmem>> -> memref<256x256xf32, #tpu.memory_space<vmem>>
      %dma_start3A_211 = arith.constant 0 : i32
      %dma_start3A_212 = tpu.memref_slice %arg1[%add3A_188, %dma_start3A, %dma_start3A_211] : memref<16384x2x256xf32, #tpu.memory_space<any>> -> memref<256x1x256xf32, #tpu.memory_space<any>>
      %dma_start3A_213 = tpu.memref_squeeze %dma_start3A_212 : memref<256x1x256xf32, #tpu.memory_space<any>> -> memref<256x256xf32, #tpu.memory_space<any>>
      tpu.enqueue_dma source(%dma_start3A_213 : memref<256x256xf32, #tpu.memory_space<any>>) target(%dma_start3A_210 : memref<256x256xf32, #tpu.memory_space<vmem>>) target_semaphore(%dma_start3A_206 : memref<!tpu.dma_semaphore, #tpu.memory_space<semaphore_mem>>)
      %dma_start3A_214 = arith.constant 0 : i32
      %dma_start3A_215 = arith.constant 0 : i32
      %dma_start3A_216 = arith.constant 1 : i32
      %dma_start3A_217 = tpu.memref_slice %arg4[%select_n3A_184, %dma_start3A_216] : memref<2x8x!tpu.dma_semaphore, #tpu.memory_space<semaphore_mem>> -> memref<1x1x!tpu.dma_semaphore, #tpu.memory_space<semaphore_mem>>
      %dma_start3A_218 = tpu.memref_squeeze %dma_start3A_217 : memref<1x1x!tpu.dma_semaphore, #tpu.memory_space<semaphore_mem>> -> memref<!tpu.dma_semaphore, #tpu.memory_space<semaphore_mem>>
      %dma_start3A_219 = arith.constant 256 : i32
      %dma_start3A_220 = arith.constant 0 : i32
      %dma_start3A_221 = tpu.memref_slice %arg3[%select_n3A_184, %dma_start3A_215, %dma_start3A_219, %dma_start3A_220] : memref<2x2x1024x256xf32, #tpu.memory_space<vmem>> -> memref<1x1x256x256xf32, #tpu.memory_space<vmem>>
      %dma_start3A_222 = tpu.memref_squeeze %dma_start3A_221 : memref<1x1x256x256xf32, #tpu.memory_space<vmem>> -> memref<256x256xf32, #tpu.memory_space<vmem>>
      %dma_start3A_223 = arith.constant 0 : i32
      %dma_start3A_224 = tpu.memref_slice %arg1[%add3A_190, %dma_start3A_214, %dma_start3A_223] : memref<16384x2x256xf32, #tpu.memory_space<any>> -> memref<256x1x256xf32, #tpu.memory_space<any>>
      %dma_start3A_225 = tpu.memref_squeeze %dma_start3A_224 : memref<256x1x256xf32, #tpu.memory_space<any>> -> memref<256x256xf32, #tpu.memory_space<any>>
      tpu.enqueue_dma source(%dma_start3A_225 : memref<256x256xf32, #tpu.memory_space<any>>) target(%dma_start3A_222 : memref<256x256xf32, #tpu.memory_space<vmem>>) target_semaphore(%dma_start3A_218 : memref<!tpu.dma_semaphore, #tpu.memory_space<semaphore_mem>>)
      %dma_start3A_226 = arith.constant 0 : i32
      %dma_start3A_227 = arith.constant 0 : i32
      %dma_start3A_228 = arith.constant 2 : i32
      %dma_start3A_229 = tpu.memref_slice %arg4[%select_n3A_184, %dma_start3A_228] : memref<2x8x!tpu.dma_semaphore, #tpu.memory_space<semaphore_mem>> -> memref<1x1x!tpu.dma_semaphore, #tpu.memory_space<semaphore_mem>>
      %dma_start3A_230 = tpu.memref_squeeze %dma_start3A_229 : memref<1x1x!tpu.dma_semaphore, #tpu.memory_space<semaphore_mem>> -> memref<!tpu.dma_semaphore, #tpu.memory_space<semaphore_mem>>
      %dma_start3A_231 = arith.constant 512 : i32
      %dma_start3A_232 = arith.constant 0 : i32
      %dma_start3A_233 = tpu.memref_slice %arg3[%select_n3A_184, %dma_start3A_227, %dma_start3A_231, %dma_start3A_232] : memref<2x2x1024x256xf32, #tpu.memory_space<vmem>> -> memref<1x1x256x256xf32, #tpu.memory_space<vmem>>
      %dma_start3A_234 = tpu.memref_squeeze %dma_start3A_233 : memref<1x1x256x256xf32, #tpu.memory_space<vmem>> -> memref<256x256xf32, #tpu.memory_space<vmem>>
      %dma_start3A_235 = arith.constant 0 : i32
      %dma_start3A_236 = tpu.memref_slice %arg1[%add3A_192, %dma_start3A_226, %dma_start3A_235] : memref<16384x2x256xf32, #tpu.memory_space<any>> -> memref<256x1x256xf32, #tpu.memory_space<any>>
      %dma_start3A_237 = tpu.memref_squeeze %dma_start3A_236 : memref<256x1x256xf32, #tpu.memory_space<any>> -> memref<256x256xf32, #tpu.memory_space<any>>
      tpu.enqueue_dma source(%dma_start3A_237 : memref<256x256xf32, #tpu.memory_space<any>>) target(%dma_start3A_234 : memref<256x256xf32, #tpu.memory_space<vmem>>) target_semaphore(%dma_start3A_230 : memref<!tpu.dma_semaphore, #tpu.memory_space<semaphore_mem>>)
      %dma_start3A_238 = arith.constant 0 : i32
      %dma_start3A_239 = arith.constant 0 : i32
      %dma_start3A_240 = arith.constant 3 : i32
      %dma_start3A_241 = tpu.memref_slice %arg4[%select_n3A_184, %dma_start3A_240] : memref<2x8x!tpu.dma_semaphore, #tpu.memory_space<semaphore_mem>> -> memref<1x1x!tpu.dma_semaphore, #tpu.memory_space<semaphore_mem>>
      %dma_start3A_242 = tpu.memref_squeeze %dma_start3A_241 : memref<1x1x!tpu.dma_semaphore, #tpu.memory_space<semaphore_mem>> -> memref<!tpu.dma_semaphore, #tpu.memory_space<semaphore_mem>>
      %dma_start3A_243 = arith.constant 768 : i32
      %dma_start3A_244 = arith.constant 0 : i32
      %dma_start3A_245 = tpu.memref_slice %arg3[%select_n3A_184, %dma_start3A_239, %dma_start3A_243, %dma_start3A_244] : memref<2x2x1024x256xf32, #tpu.memory_space<vmem>> -> memref<1x1x256x256xf32, #tpu.memory_space<vmem>>
      %dma_start3A_246 = tpu.memref_squeeze %dma_start3A_245 : memref<1x1x256x256xf32, #tpu.memory_space<vmem>> -> memref<256x256xf32, #tpu.memory_space<vmem>>
      %dma_start3A_247 = arith.constant 0 : i32
      %dma_start3A_248 = tpu.memref_slice %arg1[%add3A_194, %dma_start3A_238, %dma_start3A_247] : memref<16384x2x256xf32, #tpu.memory_space<any>> -> memref<256x1x256xf32, #tpu.memory_space<any>>
      %dma_start3A_249 = tpu.memref_squeeze %dma_start3A_248 : memref<256x1x256xf32, #tpu.memory_space<any>> -> memref<256x256xf32, #tpu.memory_space<any>>
      tpu.enqueue_dma source(%dma_start3A_249 : memref<256x256xf32, #tpu.memory_space<any>>) target(%dma_start3A_246 : memref<256x256xf32, #tpu.memory_space<vmem>>) target_semaphore(%dma_start3A_242 : memref<!tpu.dma_semaphore, #tpu.memory_space<semaphore_mem>>)
      %dma_start3A_250 = arith.constant 1 : i32
      %dma_start3A_251 = arith.constant 1 : i32
      %dma_start3A_252 = arith.constant 4 : i32
      %dma_start3A_253 = tpu.memref_slice %arg4[%select_n3A_184, %dma_start3A_252] : memref<2x8x!tpu.dma_semaphore, #tpu.memory_space<semaphore_mem>> -> memref<1x1x!tpu.dma_semaphore, #tpu.memory_space<semaphore_mem>>
      %dma_start3A_254 = tpu.memref_squeeze %dma_start3A_253 : memref<1x1x!tpu.dma_semaphore, #tpu.memory_space<semaphore_mem>> -> memref<!tpu.dma_semaphore, #tpu.memory_space<semaphore_mem>>
      %dma_start3A_255 = arith.constant 0 : i32
      %dma_start3A_256 = arith.constant 0 : i32
      %dma_start3A_257 = tpu.memref_slice %arg3[%select_n3A_184, %dma_start3A_251, %dma_start3A_255, %dma_start3A_256] : memref<2x2x1024x256xf32, #tpu.memory_space<vmem>> -> memref<1x1x256x256xf32, #tpu.memory_space<vmem>>
      %dma_start3A_258 = tpu.memref_squeeze %dma_start3A_257 : memref<1x1x256x256xf32, #tpu.memory_space<vmem>> -> memref<256x256xf32, #tpu.memory_space<vmem>>
      %dma_start3A_259 = arith.constant 0 : i32
      %dma_start3A_260 = tpu.memref_slice %arg1[%add3A_196, %dma_start3A_250, %dma_start3A_259] : memref<16384x2x256xf32, #tpu.memory_space<any>> -> memref<256x1x256xf32, #tpu.memory_space<any>>
      %dma_start3A_261 = tpu.memref_squeeze %dma_start3A_260 : memref<256x1x256xf32, #tpu.memory_space<any>> -> memref<256x256xf32, #tpu.memory_space<any>>
      tpu.enqueue_dma source(%dma_start3A_261 : memref<256x256xf32, #tpu.memory_space<any>>) target(%dma_start3A_258 : memref<256x256xf32, #tpu.memory_space<vmem>>) target_semaphore(%dma_start3A_254 : memref<!tpu.dma_semaphore, #tpu.memory_space<semaphore_mem>>)
      %dma_start3A_262 = arith.constant 1 : i32
      %dma_start3A_263 = arith.constant 1 : i32
      %dma_start3A_264 = arith.constant 5 : i32
      %dma_start3A_265 = tpu.memref_slice %arg4[%select_n3A_184, %dma_start3A_264] : memref<2x8x!tpu.dma_semaphore, #tpu.memory_space<semaphore_mem>> -> memref<1x1x!tpu.dma_semaphore, #tpu.memory_space<semaphore_mem>>
      %dma_start3A_266 = tpu.memref_squeeze %dma_start3A_265 : memref<1x1x!tpu.dma_semaphore, #tpu.memory_space<semaphore_mem>> -> memref<!tpu.dma_semaphore, #tpu.memory_space<semaphore_mem>>
      %dma_start3A_267 = arith.constant 256 : i32
      %dma_start3A_268 = arith.constant 0 : i32
      %dma_start3A_269 = tpu.memref_slice %arg3[%select_n3A_184, %dma_start3A_263, %dma_start3A_267, %dma_start3A_268] : memref<2x2x1024x256xf32, #tpu.memory_space<vmem>> -> memref<1x1x256x256xf32, #tpu.memory_space<vmem>>
      %dma_start3A_270 = tpu.memref_squeeze %dma_start3A_269 : memref<1x1x256x256xf32, #tpu.memory_space<vmem>> -> memref<256x256xf32, #tpu.memory_space<vmem>>
      %dma_start3A_271 = arith.constant 0 : i32
      %dma_start3A_272 = tpu.memref_slice %arg1[%add3A_198, %dma_start3A_262, %dma_start3A_271] : memref<16384x2x256xf32, #tpu.memory_space<any>> -> memref<256x1x256xf32, #tpu.memory_space<any>>
      %dma_start3A_273 = tpu.memref_squeeze %dma_start3A_272 : memref<256x1x256xf32, #tpu.memory_space<any>> -> memref<256x256xf32, #tpu.memory_space<any>>
      tpu.enqueue_dma source(%dma_start3A_273 : memref<256x256xf32, #tpu.memory_space<any>>) target(%dma_start3A_270 : memref<256x256xf32, #tpu.memory_space<vmem>>) target_semaphore(%dma_start3A_266 : memref<!tpu.dma_semaphore, #tpu.memory_space<semaphore_mem>>)
      %dma_start3A_274 = arith.constant 1 : i32
      %dma_start3A_275 = arith.constant 1 : i32
      %dma_start3A_276 = arith.constant 6 : i32
      %dma_start3A_277 = tpu.memref_slice %arg4[%select_n3A_184, %dma_start3A_276] : memref<2x8x!tpu.dma_semaphore, #tpu.memory_space<semaphore_mem>> -> memref<1x1x!tpu.dma_semaphore, #tpu.memory_space<semaphore_mem>>
      %dma_start3A_278 = tpu.memref_squeeze %dma_start3A_277 : memref<1x1x!tpu.dma_semaphore, #tpu.memory_space<semaphore_mem>> -> memref<!tpu.dma_semaphore, #tpu.memory_space<semaphore_mem>>
      %dma_start3A_279 = arith.constant 512 : i32
      %dma_start3A_280 = arith.constant 0 : i32
      %dma_start3A_281 = tpu.memref_slice %arg3[%select_n3A_184, %dma_start3A_275, %dma_start3A_279, %dma_start3A_280] : memref<2x2x1024x256xf32, #tpu.memory_space<vmem>> -> memref<1x1x256x256xf32, #tpu.memory_space<vmem>>
      %dma_start3A_282 = tpu.memref_squeeze %dma_start3A_281 : memref<1x1x256x256xf32, #tpu.memory_space<vmem>> -> memref<256x256xf32, #tpu.memory_space<vmem>>
      %dma_start3A_283 = arith.constant 0 : i32
      %dma_start3A_284 = tpu.memref_slice %arg1[%add3A_200, %dma_start3A_274, %dma_start3A_283] : memref<16384x2x256xf32, #tpu.memory_space<any>> -> memref<256x1x256xf32, #tpu.memory_space<any>>
      %dma_start3A_285 = tpu.memref_squeeze %dma_start3A_284 : memref<256x1x256xf32, #tpu.memory_space<any>> -> memref<256x256xf32, #tpu.memory_space<any>>
      tpu.enqueue_dma source(%dma_start3A_285 : memref<256x256xf32, #tpu.memory_space<any>>) target(%dma_start3A_282 : memref<256x256xf32, #tpu.memory_space<vmem>>) target_semaphore(%dma_start3A_278 : memref<!tpu.dma_semaphore, #tpu.memory_space<semaphore_mem>>)
      %dma_start3A_286 = arith.constant 1 : i32
      %dma_start3A_287 = arith.constant 1 : i32
      %dma_start3A_288 = arith.constant 7 : i32
      %dma_start3A_289 = tpu.memref_slice %arg4[%select_n3A_184, %dma_start3A_288] : memref<2x8x!tpu.dma_semaphore, #tpu.memory_space<semaphore_mem>> -> memref<1x1x!tpu.dma_semaphore, #tpu.memory_space<semaphore_mem>>
      %dma_start3A_290 = tpu.memref_squeeze %dma_start3A_289 : memref<1x1x!tpu.dma_semaphore, #tpu.memory_space<semaphore_mem>> -> memref<!tpu.dma_semaphore, #tpu.memory_space<semaphore_mem>>
      %dma_start3A_291 = arith.constant 768 : i32
      %dma_start3A_292 = arith.constant 0 : i32
      %dma_start3A_293 = tpu.memref_slice %arg3[%select_n3A_184, %dma_start3A_287, %dma_start3A_291, %dma_start3A_292] : memref<2x2x1024x256xf32, #tpu.memory_space<vmem>> -> memref<1x1x256x256xf32, #tpu.memory_space<vmem>>
      %dma_start3A_294 = tpu.memref_squeeze %dma_start3A_293 : memref<1x1x256x256xf32, #tpu.memory_space<vmem>> -> memref<256x256xf32, #tpu.memory_space<vmem>>
      %dma_start3A_295 = arith.constant 0 : i32
      %dma_start3A_296 = tpu.memref_slice %arg1[%add3A_202, %dma_start3A_286, %dma_start3A_295] : memref<16384x2x256xf32, #tpu.memory_space<any>> -> memref<256x1x256xf32, #tpu.memory_space<any>>
      %dma_start3A_297 = tpu.memref_squeeze %dma_start3A_296 : memref<256x1x256xf32, #tpu.memory_space<any>> -> memref<256x256xf32, #tpu.memory_space<any>>
      tpu.enqueue_dma source(%dma_start3A_297 : memref<256x256xf32, #tpu.memory_space<any>>) target(%dma_start3A_294 : memref<256x256xf32, #tpu.memory_space<vmem>>) target_semaphore(%dma_start3A_290 : memref<!tpu.dma_semaphore, #tpu.memory_space<semaphore_mem>>)
    } else {
    }
    %jit3A = arith.constant 2 : i32
    %eq3A_7 = arith.constant 0 : i32
    %eq3A_8 = arith.cmpi eq, %jit3A, %eq3A_7 : i32
    %jit3A_9 = arith.constant 1 : i32
    %select_n3A = arith.select %eq3A_8, %jit3A_9, %jit3A : i32
    %rem3A = arith.remsi %arg0, %select_n3A : i32
    %ne3A = arith.constant 0 : i32
    %ne3A_10 = arith.cmpi ne, %rem3A, %ne3A : i32
    %lt3A_11 = arith.constant 0 : i32
    %lt3A_12 = arith.cmpi slt, %rem3A, %lt3A_11 : i32
    %lt3A_13 = arith.constant 0 : i32
    %lt3A_14 = arith.cmpi slt, %select_n3A, %lt3A_13 : i32
    %ne3A_15 = arith.xori %lt3A_12, %lt3A_14 : i1
    %and3A = arith.andi %ne3A_15, %ne3A_10 : i1
    %add3A_16 = arith.addi %rem3A, %select_n3A : i32
    %select_n3A_17 = arith.select %and3A, %add3A_16, %rem3A : i32
    %mul3A = arith.constant 1024 : i32
    %mul3A_18 = arith.muli %arg0, %mul3A : i32
    %add3A_19 = arith.constant 0 : i32
    %add3A_20 = arith.addi %mul3A_18, %add3A_19 : i32
    %add3A_21 = arith.constant 256 : i32
    %add3A_22 = arith.addi %mul3A_18, %add3A_21 : i32
    %add3A_23 = arith.constant 512 : i32
    %add3A_24 = arith.addi %mul3A_18, %add3A_23 : i32
    %add3A_25 = arith.constant 768 : i32
    %add3A_26 = arith.addi %mul3A_18, %add3A_25 : i32
    %add3A_27 = arith.constant 0 : i32
    %add3A_28 = arith.addi %mul3A_18, %add3A_27 : i32
    %add3A_29 = arith.constant 256 : i32
    %add3A_30 = arith.addi %mul3A_18, %add3A_29 : i32
    %add3A_31 = arith.constant 512 : i32
    %add3A_32 = arith.addi %mul3A_18, %add3A_31 : i32
    %add3A_33 = arith.constant 768 : i32
    %add3A_34 = arith.addi %mul3A_18, %add3A_33 : i32
    %dma_wait3A = arith.constant 0 : i32
    %dma_wait3A_35 = arith.constant 0 : i32
    %dma_wait3A_36 = arith.constant 0 : i32
    %dma_wait3A_37 = tpu.memref_slice %arg4[%select_n3A_17, %dma_wait3A_36] : memref<2x8x!tpu.dma_semaphore, #tpu.memory_space<semaphore_mem>> -> memref<1x1x!tpu.dma_semaphore, #tpu.memory_space<semaphore_mem>>
    %dma_wait3A_38 = tpu.memref_squeeze %dma_wait3A_37 : memref<1x1x!tpu.dma_semaphore, #tpu.memory_space<semaphore_mem>> -> memref<!tpu.dma_semaphore, #tpu.memory_space<semaphore_mem>>
    %dma_wait3A_39 = arith.constant 0 : i32
    %dma_wait3A_40 = arith.constant 0 : i32
    %dma_wait3A_41 = tpu.memref_slice %arg3[%select_n3A_17, %dma_wait3A_35, %dma_wait3A_39, %dma_wait3A_40] : memref<2x2x1024x256xf32, #tpu.memory_space<vmem>> -> memref<1x1x256x256xf32, #tpu.memory_space<vmem>>
    %dma_wait3A_42 = tpu.memref_squeeze %dma_wait3A_41 : memref<1x1x256x256xf32, #tpu.memory_space<vmem>> -> memref<256x256xf32, #tpu.memory_space<vmem>>
    %dma_wait3A_43 = arith.constant 0 : i32
    %dma_wait3A_44 = tpu.memref_slice %arg1[%add3A_20, %dma_wait3A, %dma_wait3A_43] : memref<16384x2x256xf32, #tpu.memory_space<any>> -> memref<256x1x256xf32, #tpu.memory_space<any>>
    %dma_wait3A_45 = tpu.memref_squeeze %dma_wait3A_44 : memref<256x1x256xf32, #tpu.memory_space<any>> -> memref<256x256xf32, #tpu.memory_space<any>>
    tpu.wait_dma2 semaphore(%dma_wait3A_38 : memref<!tpu.dma_semaphore, #tpu.memory_space<semaphore_mem>>) src(%dma_wait3A_45 : memref<256x256xf32, #tpu.memory_space<any>>) dst(%dma_wait3A_42 : memref<256x256xf32, #tpu.memory_space<vmem>>)
    %dma_wait3A_46 = arith.constant 0 : i32
    %dma_wait3A_47 = arith.constant 0 : i32
    %dma_wait3A_48 = arith.constant 1 : i32
    %dma_wait3A_49 = tpu.memref_slice %arg4[%select_n3A_17, %dma_wait3A_48] : memref<2x8x!tpu.dma_semaphore, #tpu.memory_space<semaphore_mem>> -> memref<1x1x!tpu.dma_semaphore, #tpu.memory_space<semaphore_mem>>
    %dma_wait3A_50 = tpu.memref_squeeze %dma_wait3A_49 : memref<1x1x!tpu.dma_semaphore, #tpu.memory_space<semaphore_mem>> -> memref<!tpu.dma_semaphore, #tpu.memory_space<semaphore_mem>>
    %dma_wait3A_51 = arith.constant 256 : i32
    %dma_wait3A_52 = arith.constant 0 : i32
    %dma_wait3A_53 = tpu.memref_slice %arg3[%select_n3A_17, %dma_wait3A_47, %dma_wait3A_51, %dma_wait3A_52] : memref<2x2x1024x256xf32, #tpu.memory_space<vmem>> -> memref<1x1x256x256xf32, #tpu.memory_space<vmem>>
    %dma_wait3A_54 = tpu.memref_squeeze %dma_wait3A_53 : memref<1x1x256x256xf32, #tpu.memory_space<vmem>> -> memref<256x256xf32, #tpu.memory_space<vmem>>
    %dma_wait3A_55 = arith.constant 0 : i32
    %dma_wait3A_56 = tpu.memref_slice %arg1[%add3A_22, %dma_wait3A_46, %dma_wait3A_55] : memref<16384x2x256xf32, #tpu.memory_space<any>> -> memref<256x1x256xf32, #tpu.memory_space<any>>
    %dma_wait3A_57 = tpu.memref_squeeze %dma_wait3A_56 : memref<256x1x256xf32, #tpu.memory_space<any>> -> memref<256x256xf32, #tpu.memory_space<any>>
    tpu.wait_dma2 semaphore(%dma_wait3A_50 : memref<!tpu.dma_semaphore, #tpu.memory_space<semaphore_mem>>) src(%dma_wait3A_57 : memref<256x256xf32, #tpu.memory_space<any>>) dst(%dma_wait3A_54 : memref<256x256xf32, #tpu.memory_space<vmem>>)
    %dma_wait3A_58 = arith.constant 0 : i32
    %dma_wait3A_59 = arith.constant 0 : i32
    %dma_wait3A_60 = arith.constant 2 : i32
    %dma_wait3A_61 = tpu.memref_slice %arg4[%select_n3A_17, %dma_wait3A_60] : memref<2x8x!tpu.dma_semaphore, #tpu.memory_space<semaphore_mem>> -> memref<1x1x!tpu.dma_semaphore, #tpu.memory_space<semaphore_mem>>
    %dma_wait3A_62 = tpu.memref_squeeze %dma_wait3A_61 : memref<1x1x!tpu.dma_semaphore, #tpu.memory_space<semaphore_mem>> -> memref<!tpu.dma_semaphore, #tpu.memory_space<semaphore_mem>>
    %dma_wait3A_63 = arith.constant 512 : i32
    %dma_wait3A_64 = arith.constant 0 : i32
    %dma_wait3A_65 = tpu.memref_slice %arg3[%select_n3A_17, %dma_wait3A_59, %dma_wait3A_63, %dma_wait3A_64] : memref<2x2x1024x256xf32, #tpu.memory_space<vmem>> -> memref<1x1x256x256xf32, #tpu.memory_space<vmem>>
    %dma_wait3A_66 = tpu.memref_squeeze %dma_wait3A_65 : memref<1x1x256x256xf32, #tpu.memory_space<vmem>> -> memref<256x256xf32, #tpu.memory_space<vmem>>
    %dma_wait3A_67 = arith.constant 0 : i32
    %dma_wait3A_68 = tpu.memref_slice %arg1[%add3A_24, %dma_wait3A_58, %dma_wait3A_67] : memref<16384x2x256xf32, #tpu.memory_space<any>> -> memref<256x1x256xf32, #tpu.memory_space<any>>
    %dma_wait3A_69 = tpu.memref_squeeze %dma_wait3A_68 : memref<256x1x256xf32, #tpu.memory_space<any>> -> memref<256x256xf32, #tpu.memory_space<any>>
    tpu.wait_dma2 semaphore(%dma_wait3A_62 : memref<!tpu.dma_semaphore, #tpu.memory_space<semaphore_mem>>) src(%dma_wait3A_69 : memref<256x256xf32, #tpu.memory_space<any>>) dst(%dma_wait3A_66 : memref<256x256xf32, #tpu.memory_space<vmem>>)
    %dma_wait3A_70 = arith.constant 0 : i32
    %dma_wait3A_71 = arith.constant 0 : i32
    %dma_wait3A_72 = arith.constant 3 : i32
    %dma_wait3A_73 = tpu.memref_slice %arg4[%select_n3A_17, %dma_wait3A_72] : memref<2x8x!tpu.dma_semaphore, #tpu.memory_space<semaphore_mem>> -> memref<1x1x!tpu.dma_semaphore, #tpu.memory_space<semaphore_mem>>
    %dma_wait3A_74 = tpu.memref_squeeze %dma_wait3A_73 : memref<1x1x!tpu.dma_semaphore, #tpu.memory_space<semaphore_mem>> -> memref<!tpu.dma_semaphore, #tpu.memory_space<semaphore_mem>>
    %dma_wait3A_75 = arith.constant 768 : i32
    %dma_wait3A_76 = arith.constant 0 : i32
    %dma_wait3A_77 = tpu.memref_slice %arg3[%select_n3A_17, %dma_wait3A_71, %dma_wait3A_75, %dma_wait3A_76] : memref<2x2x1024x256xf32, #tpu.memory_space<vmem>> -> memref<1x1x256x256xf32, #tpu.memory_space<vmem>>
    %dma_wait3A_78 = tpu.memref_squeeze %dma_wait3A_77 : memref<1x1x256x256xf32, #tpu.memory_space<vmem>> -> memref<256x256xf32, #tpu.memory_space<vmem>>
    %dma_wait3A_79 = arith.constant 0 : i32
    %dma_wait3A_80 = tpu.memref_slice %arg1[%add3A_26, %dma_wait3A_70, %dma_wait3A_79] : memref<16384x2x256xf32, #tpu.memory_space<any>> -> memref<256x1x256xf32, #tpu.memory_space<any>>
    %dma_wait3A_81 = tpu.memref_squeeze %dma_wait3A_80 : memref<256x1x256xf32, #tpu.memory_space<any>> -> memref<256x256xf32, #tpu.memory_space<any>>
    tpu.wait_dma2 semaphore(%dma_wait3A_74 : memref<!tpu.dma_semaphore, #tpu.memory_space<semaphore_mem>>) src(%dma_wait3A_81 : memref<256x256xf32, #tpu.memory_space<any>>) dst(%dma_wait3A_78 : memref<256x256xf32, #tpu.memory_space<vmem>>)
    %dma_wait3A_82 = arith.constant 1 : i32
    %dma_wait3A_83 = arith.constant 1 : i32
    %dma_wait3A_84 = arith.constant 4 : i32
    %dma_wait3A_85 = tpu.memref_slice %arg4[%select_n3A_17, %dma_wait3A_84] : memref<2x8x!tpu.dma_semaphore, #tpu.memory_space<semaphore_mem>> -> memref<1x1x!tpu.dma_semaphore, #tpu.memory_space<semaphore_mem>>
    %dma_wait3A_86 = tpu.memref_squeeze %dma_wait3A_85 : memref<1x1x!tpu.dma_semaphore, #tpu.memory_space<semaphore_mem>> -> memref<!tpu.dma_semaphore, #tpu.memory_space<semaphore_mem>>
    %dma_wait3A_87 = arith.constant 0 : i32
    %dma_wait3A_88 = arith.constant 0 : i32
    %dma_wait3A_89 = tpu.memref_slice %arg3[%select_n3A_17, %dma_wait3A_83, %dma_wait3A_87, %dma_wait3A_88] : memref<2x2x1024x256xf32, #tpu.memory_space<vmem>> -> memref<1x1x256x256xf32, #tpu.memory_space<vmem>>
    %dma_wait3A_90 = tpu.memref_squeeze %dma_wait3A_89 : memref<1x1x256x256xf32, #tpu.memory_space<vmem>> -> memref<256x256xf32, #tpu.memory_space<vmem>>
    %dma_wait3A_91 = arith.constant 0 : i32
    %dma_wait3A_92 = tpu.memref_slice %arg1[%add3A_28, %dma_wait3A_82, %dma_wait3A_91] : memref<16384x2x256xf32, #tpu.memory_space<any>> -> memref<256x1x256xf32, #tpu.memory_space<any>>
    %dma_wait3A_93 = tpu.memref_squeeze %dma_wait3A_92 : memref<256x1x256xf32, #tpu.memory_space<any>> -> memref<256x256xf32, #tpu.memory_space<any>>
    tpu.wait_dma2 semaphore(%dma_wait3A_86 : memref<!tpu.dma_semaphore, #tpu.memory_space<semaphore_mem>>) src(%dma_wait3A_93 : memref<256x256xf32, #tpu.memory_space<any>>) dst(%dma_wait3A_90 : memref<256x256xf32, #tpu.memory_space<vmem>>)
    %dma_wait3A_94 = arith.constant 1 : i32
    %dma_wait3A_95 = arith.constant 1 : i32
    %dma_wait3A_96 = arith.constant 5 : i32
    %dma_wait3A_97 = tpu.memref_slice %arg4[%select_n3A_17, %dma_wait3A_96] : memref<2x8x!tpu.dma_semaphore, #tpu.memory_space<semaphore_mem>> -> memref<1x1x!tpu.dma_semaphore, #tpu.memory_space<semaphore_mem>>
    %dma_wait3A_98 = tpu.memref_squeeze %dma_wait3A_97 : memref<1x1x!tpu.dma_semaphore, #tpu.memory_space<semaphore_mem>> -> memref<!tpu.dma_semaphore, #tpu.memory_space<semaphore_mem>>
    %dma_wait3A_99 = arith.constant 256 : i32
    %dma_wait3A_100 = arith.constant 0 : i32
    %dma_wait3A_101 = tpu.memref_slice %arg3[%select_n3A_17, %dma_wait3A_95, %dma_wait3A_99, %dma_wait3A_100] : memref<2x2x1024x256xf32, #tpu.memory_space<vmem>> -> memref<1x1x256x256xf32, #tpu.memory_space<vmem>>
    %dma_wait3A_102 = tpu.memref_squeeze %dma_wait3A_101 : memref<1x1x256x256xf32, #tpu.memory_space<vmem>> -> memref<256x256xf32, #tpu.memory_space<vmem>>
    %dma_wait3A_103 = arith.constant 0 : i32
    %dma_wait3A_104 = tpu.memref_slice %arg1[%add3A_30, %dma_wait3A_94, %dma_wait3A_103] : memref<16384x2x256xf32, #tpu.memory_space<any>> -> memref<256x1x256xf32, #tpu.memory_space<any>>
    %dma_wait3A_105 = tpu.memref_squeeze %dma_wait3A_104 : memref<256x1x256xf32, #tpu.memory_space<any>> -> memref<256x256xf32, #tpu.memory_space<any>>
    tpu.wait_dma2 semaphore(%dma_wait3A_98 : memref<!tpu.dma_semaphore, #tpu.memory_space<semaphore_mem>>) src(%dma_wait3A_105 : memref<256x256xf32, #tpu.memory_space<any>>) dst(%dma_wait3A_102 : memref<256x256xf32, #tpu.memory_space<vmem>>)
    %dma_wait3A_106 = arith.constant 1 : i32
    %dma_wait3A_107 = arith.constant 1 : i32
    %dma_wait3A_108 = arith.constant 6 : i32
    %dma_wait3A_109 = tpu.memref_slice %arg4[%select_n3A_17, %dma_wait3A_108] : memref<2x8x!tpu.dma_semaphore, #tpu.memory_space<semaphore_mem>> -> memref<1x1x!tpu.dma_semaphore, #tpu.memory_space<semaphore_mem>>
    %dma_wait3A_110 = tpu.memref_squeeze %dma_wait3A_109 : memref<1x1x!tpu.dma_semaphore, #tpu.memory_space<semaphore_mem>> -> memref<!tpu.dma_semaphore, #tpu.memory_space<semaphore_mem>>
    %dma_wait3A_111 = arith.constant 512 : i32
    %dma_wait3A_112 = arith.constant 0 : i32
    %dma_wait3A_113 = tpu.memref_slice %arg3[%select_n3A_17, %dma_wait3A_107, %dma_wait3A_111, %dma_wait3A_112] : memref<2x2x1024x256xf32, #tpu.memory_space<vmem>> -> memref<1x1x256x256xf32, #tpu.memory_space<vmem>>
    %dma_wait3A_114 = tpu.memref_squeeze %dma_wait3A_113 : memref<1x1x256x256xf32, #tpu.memory_space<vmem>> -> memref<256x256xf32, #tpu.memory_space<vmem>>
    %dma_wait3A_115 = arith.constant 0 : i32
    %dma_wait3A_116 = tpu.memref_slice %arg1[%add3A_32, %dma_wait3A_106, %dma_wait3A_115] : memref<16384x2x256xf32, #tpu.memory_space<any>> -> memref<256x1x256xf32, #tpu.memory_space<any>>
    %dma_wait3A_117 = tpu.memref_squeeze %dma_wait3A_116 : memref<256x1x256xf32, #tpu.memory_space<any>> -> memref<256x256xf32, #tpu.memory_space<any>>
    tpu.wait_dma2 semaphore(%dma_wait3A_110 : memref<!tpu.dma_semaphore, #tpu.memory_space<semaphore_mem>>) src(%dma_wait3A_117 : memref<256x256xf32, #tpu.memory_space<any>>) dst(%dma_wait3A_114 : memref<256x256xf32, #tpu.memory_space<vmem>>)
    %dma_wait3A_118 = arith.constant 1 : i32
    %dma_wait3A_119 = arith.constant 1 : i32
    %dma_wait3A_120 = arith.constant 7 : i32
    %dma_wait3A_121 = tpu.memref_slice %arg4[%select_n3A_17, %dma_wait3A_120] : memref<2x8x!tpu.dma_semaphore, #tpu.memory_space<semaphore_mem>> -> memref<1x1x!tpu.dma_semaphore, #tpu.memory_space<semaphore_mem>>
    %dma_wait3A_122 = tpu.memref_squeeze %dma_wait3A_121 : memref<1x1x!tpu.dma_semaphore, #tpu.memory_space<semaphore_mem>> -> memref<!tpu.dma_semaphore, #tpu.memory_space<semaphore_mem>>
    %dma_wait3A_123 = arith.constant 768 : i32
    %dma_wait3A_124 = arith.constant 0 : i32
    %dma_wait3A_125 = tpu.memref_slice %arg3[%select_n3A_17, %dma_wait3A_119, %dma_wait3A_123, %dma_wait3A_124] : memref<2x2x1024x256xf32, #tpu.memory_space<vmem>> -> memref<1x1x256x256xf32, #tpu.memory_space<vmem>>
    %dma_wait3A_126 = tpu.memref_squeeze %dma_wait3A_125 : memref<1x1x256x256xf32, #tpu.memory_space<vmem>> -> memref<256x256xf32, #tpu.memory_space<vmem>>
    %dma_wait3A_127 = arith.constant 0 : i32
    %dma_wait3A_128 = tpu.memref_slice %arg1[%add3A_34, %dma_wait3A_118, %dma_wait3A_127] : memref<16384x2x256xf32, #tpu.memory_space<any>> -> memref<256x1x256xf32, #tpu.memory_space<any>>
    %dma_wait3A_129 = tpu.memref_squeeze %dma_wait3A_128 : memref<256x1x256xf32, #tpu.memory_space<any>> -> memref<256x256xf32, #tpu.memory_space<any>>
    tpu.wait_dma2 semaphore(%dma_wait3A_122 : memref<!tpu.dma_semaphore, #tpu.memory_space<semaphore_mem>>) src(%dma_wait3A_129 : memref<256x256xf32, #tpu.memory_space<any>>) dst(%dma_wait3A_126 : memref<256x256xf32, #tpu.memory_space<vmem>>)
    %get3A = arith.index_cast %select_n3A_17 : i32 to index
    %get3A_130 = arith.constant 0 : index
    %get3A_131 = arith.constant 0 : index
    %get3A_132 = arith.constant 0 : index
    %get3A_133 = vector.load %arg3[%get3A, %get3A_130, %get3A_131, %get3A_132] : memref<2x2x1024x256xf32, #tpu.memory_space<vmem>>, vector<1x1x1024x256xf32>
    %get3A_134 = vector.shape_cast %get3A_133 : vector<1x1x1024x256xf32> to vector<1024x256xf32>
    %reduce_max3A = arith.constant dense<0xFF800000> : vector<1024xf32>
    %reduce_max3A_135 = vector.multi_reduction <maximumf>, %get3A_134, %reduce_max3A [1] : vector<1024x256xf32> to vector<1024xf32>
    %broadcast_in_dim3A = vector.shape_cast %reduce_max3A_135 : vector<1024xf32> to vector<1024x1xf32>
    %iota3A = tpu.iota {dimensions = array<i32: 1>} : vector<1024x256xi32>
    %eq3A_136 = vector.broadcast %broadcast_in_dim3A : vector<1024x1xf32> to vector<1024x256xf32>
    %eq3A_137 = arith.cmpf oeq, %get3A_134, %eq3A_136 : vector<1024x256xf32>
    %jit3A_138 = arith.constant 256 : i32
    %broadcast_in_dim3A_139 = vector.broadcast %jit3A_138 : i32 to vector<1024x256xi32>
    %select_n3A_140 = arith.select %eq3A_137, %iota3A, %broadcast_in_dim3A_139 : vector<1024x256xi1>, vector<1024x256xi32>
    %reduce_min3A = arith.constant dense<2147483647> : vector<1024xi32>
    %reduce_min3A_141 = vector.multi_reduction <minsi>, %select_n3A_140, %reduce_min3A [1] : vector<1024x256xi32> to vector<1024xi32>
    %get3A_142 = arith.index_cast %select_n3A_17 : i32 to index
    %get3A_143 = arith.constant 1 : index
    %get3A_144 = arith.constant 0 : index
    %get3A_145 = arith.constant 0 : index
    %get3A_146 = vector.load %arg3[%get3A_142, %get3A_143, %get3A_144, %get3A_145] : memref<2x2x1024x256xf32, #tpu.memory_space<vmem>>, vector<1x1x1024x256xf32>
    %get3A_147 = vector.shape_cast %get3A_146 : vector<1x1x1024x256xf32> to vector<1024x256xf32>
    %reduce_max3A_148 = arith.constant dense<0xFF800000> : vector<1024xf32>
    %reduce_max3A_149 = vector.multi_reduction <maximumf>, %get3A_147, %reduce_max3A_148 [1] : vector<1024x256xf32> to vector<1024xf32>
    %broadcast_in_dim3A_150 = vector.shape_cast %reduce_max3A_149 : vector<1024xf32> to vector<1024x1xf32>
    %iota3A_151 = tpu.iota {dimensions = array<i32: 1>} : vector<1024x256xi32>
    %eq3A_152 = vector.broadcast %broadcast_in_dim3A_150 : vector<1024x1xf32> to vector<1024x256xf32>
    %eq3A_153 = arith.cmpf oeq, %get3A_147, %eq3A_152 : vector<1024x256xf32>
    %jit3A_154 = arith.constant 256 : i32
    %broadcast_in_dim3A_155 = vector.broadcast %jit3A_154 : i32 to vector<1024x256xi32>
    %select_n3A_156 = arith.select %eq3A_153, %iota3A_151, %broadcast_in_dim3A_155 : vector<1024x256xi1>, vector<1024x256xi32>
    %reduce_min3A_157 = arith.constant dense<2147483647> : vector<1024xi32>
    %reduce_min3A_158 = vector.multi_reduction <minsi>, %select_n3A_156, %reduce_min3A_157 [1] : vector<1024x256xi32> to vector<1024xi32>
    %mul3A_159 = arith.constant 256 : i32
    %mul3A_160 = vector.broadcast %mul3A_159 : i32 to vector<1024xi32>
    %mul3A_161 = arith.muli %reduce_min3A_141, %mul3A_160 : vector<1024xi32>
    %add3A_162 = arith.addi %mul3A_161, %reduce_min3A_158 : vector<1024xi32>
    %reshape3A = vector.shape_cast %add3A_162 : vector<1024xi32> to vector<8x128xi32>
    %swap3A = arith.constant 0 : index
    %swap3A_163 = arith.constant 0 : index
    %swap3A_164 = vector.load %arg2[%swap3A, %swap3A_163] : memref<8x128xi32, #tpu.memory_space<vmem>>, vector<8x128xi32>
    tpu.vector_store %arg2[%swap3A, %swap3A_163], %reshape3A {strides = array<i32>} : memref<8x128xi32, #tpu.memory_space<vmem>>, vector<8x128xi32>,
    return
  }
  func.func @transform_1(%arg0: i32) -> (i32, i32) {
    %c0_i32 = arith.constant 0 : i32
    %c0_i32_0 = arith.constant 0 : i32
    return %arg0, %c0_i32 : i32, i32
  }
}

</mosaic_0001>

<sc_bundles>
// kernel: kernel.4.cloned.1.call-start
scs
__scs_entry_jumppad:
0x0: {  	(pc) =	sbr.rel $0x88, $3  }
0x1: {  	(tag) =	ssettag $0x0;
	lr =	simm.s32 $0x1  }
0x2: {  	[smem:$0x3F9E] =	sst lr;
	_ =	strace $0xD0000000  }
0x3: {  	_ = 	snop  }
0x4: {  	_ = 	snop  }
0x5: {  	_ = 	snop  }
0x6: {  	_ = 	snop  }
0x7: {  	_ = 	snop  }
__scs_overlays_trampoline_lowered:
0x8: {  	[smem:$0x3FAD] =	sst s0  }
0x9: {  	[smem:$0x3FAE] =	sst s1  }
0xa: {  	[smem:$0x3FAF] =	sst s2  }
0xb: {  	[smem:$0x3FB0] =	sst s3  }
0xc: {  	[smem:$0x3FB1] =	sst s4  }
0xd: {  	[smem:$0x3FB2] =	sst s5  }
0xe: {  	[smem:$0x3FB3] =	sst s6  }
0xf: {  	[smem:$0x3FB4] =	sst s7  }
0x10: {  	[smem:$0x3FB5] =	sst s8  }
0x11: {  	[smem:$0x3FB6] =	sst s9;
	s0 =	simm.s32 @!p0 $0x0  }
0x12: {  	s1 =	sld [smem:$0x3F9C];
	s0 =	simm.s32 @p0 $0x1  }
0x13: {  	[smem:$0x3FB7] =	sst s0;
	s0 =	simm.s32 @!p1 $0x0  }
0x14: {  	s2 =	sld [smem:$0x3F9B];
	s0 =	simm.s32 @p1 $0x1  }
0x15: {  	[smem:$0x3FB8] =	sst s0;
	s0 =	simm.s32 @!p2 $0x0  }
0x16: {  	s3 =	sld [smem:$0x3FDB];
	s0 =	simm.s32 @p2 $0x1  }
0x17: {  	s4 =	simm.s32 $0x1BF5;
	[smem:$0x3FBA] =	sst s0  }
0x18: {  	s0 =	sld [smem:$0x3F9D];
	_ =	swait.ge [sflag:s4], $0x0  }
0x19: {  	s7 =	sld [smem:$0x3F9E]  }
0x1a: {  	s8 =	sadd.s32 $0xFFFFE003, lr  }
0x1b: {  	s9 =	sadd.s32 $0xFFFFFEF7, lr;
	s5 =	simm.s32 $0xFFFFFFFF;
	p2 =	slt.u32 s8, $0xFFFFF086  }
0x1c: {  	p1 =	slt.u32 s9, $0xF7A;
	s5 =	simm.s32 @!p2 $0x0  }
0x1d: {  	s5 =	simm.s32 @p1 $0x1;
	p0 =	seq.s32 s7, s2  }
0x1e: {  	s7 =	smul.u32 @!p0 $0xF7A, s2;
	p2 =	seq.s32 @!p0 s5, $0x0  }
0x1f: {  	s9 =	smul.u32 $0xF7A, s1;
	s8 =	simm.s32 @!p0 $0x1BF5;
	p2 =	por !p2, p0  }
0x20: {  	[sflag:s8] =	ssyncset.s32 @!p0 $0xFFFFF086;
	s6 =	sadd.s32 @!p0 s3, s7;
	s7 =	simm.s32 @!p0 $0x108  }
0x21: {  	s3 =	sadd.s32 s3, s9;
	s6 =	sadd.s32 @!p0 $0x88, s6;
	s7 =	simm.s32 @p2 $0x1082  }
0x22: {  	[simem:s7], [sflag:s8] =	dma.local @!p0 [hbm:s6], $0xF7A  }
0x23: {  	s9 =	sor.u32 $0xD0000000, s2;
	s6 =	simm.s32 $0x108;
	_ =	swait.ge @!p0 [sflag:s8], $0x0  }
0x24: {  	s3 =	sadd.s32 $0x88, s3;
	s6 =	simm.s32 @!p1 $0x1082;
	[sflag:s4] =	ssyncset.s32 $0xFFFFF086  }
0x25: {  	[simem:s6], [sflag:s4] =	dma.local [hbm:s3], $0xF7A  }
0x26: {  	[smem:$0x3F9E] =	sst s1;
	(tag) =	ssettag s2;
	_ =	strace s9  }
0x27: {  	s1 =	sld [smem:$0x3FAE]  }
0x28: {  	s2 =	sld [smem:$0x3FAF]  }
0x29: {  	s4 =	sld [smem:$0x3FB1]  }
0x2a: {  	p0 =	seq.s32 s5, $0x0;
	s5 =	sld [smem:$0x3FB2]  }
0x2b: {  	s6 =	sld [smem:$0x3FB3]  }
0x2c: {  	s7 =	sld [smem:$0x3FB4]  }
0x2d: {  	s3 =	simm.s32 $0x108;
	s8 =	sld [smem:$0x3FB5]  }
0x2e: {  	s3 =	simm.s32 @!p0 $0x1082;
	s9 =	sld [smem:$0x3FB6]  }
0x2f: {  	lr =	sadd.s32 s0, s3;
	s0 =	sld [smem:$0x3FAD]  }
0x30: {  	s3 =	sld [smem:$0x3FB0]  }
0x31: {  	[smem:$0x3FB9] =	sst s10  }
0x32: {  	s10 =	sld [smem:$0x3FB7];
	_ =	sdelay $0x3  }
0x33: {  	p0 =	seq.s32 s10, $0x1;
	s10 =	sld [smem:$0x3FB9];
	_ =	sdelay $0x3  }
0x34: {  	[smem:$0x3FB9] =	sst s10  }
0x35: {  	s10 =	sld [smem:$0x3FB8];
	_ =	sdelay $0x3  }
0x36: {  	p1 =	seq.s32 s10, $0x1;
	s10 =	sld [smem:$0x3FB9];
	_ =	sdelay $0x3  }
0x37: {  	[smem:$0x3FB9] =	sst s10  }
0x38: {  	s10 =	sld [smem:$0x3FBA]  }
0x39: {  	_ = 	snop;
	(pc) =	sbr.ind lr, $3  }
0x3a: {  	_ = 	snop  }
0x3b: {  	_ = 	snop  }
0x3c: {  	p2 =	seq.s32 s10, $0x1;
	s10 =	sld [smem:$0x3FB9]  }
0x3d: {  	_ =	shalt  }
0x3e: {  	_ =	shalt  }
0x3f: {  	_ =	shalt  }
0x40: {  	_ =	shalt  }
0x41: {  	_ =	shalt  }
0x42: {  	_ =	shalt  }
0x43: {  	_ =	shalt  }
0x44: {  	_ =	shalt  }
0x45: {  	_ =	shalt  }
0x46: {  	_ =	shalt  }
0x47: {  	_ =	shalt  }
0x48: {  	_ =	shalt  }
0x49: {  	_ =	shalt  }
0x4a: {  	_ =	shalt  }
0x4b: {  	_ =	shalt  }
0x4c: {  	_ =	shalt  }
0x4d: {  	_ =	shalt  }
0x4e: {  	_ =	shalt  }
0x4f: {  	_ =	shalt  }
0x50: {  	_ =	shalt  }
0x51: {  	_ =	shalt  }
0x52: {  	_ =	shalt  }
0x53: {  	_ =	shalt  }
0x54: {  	_ =	shalt  }
0x55: {  	_ =	shalt  }
0x56: {  	_ =	shalt  }
0x57: {  	_ =	shalt  }
0x58: {  	_ =	shalt  }
0x59: {  	_ =	shalt  }
0x5a: {  	_ =	shalt  }
0x5b: {  	_ =	shalt  }
0x5c: {  	_ =	shalt  }
0x5d: {  	_ =	shalt  }
0x5e: {  	_ =	shalt  }
0x5f: {  	_ =	shalt  }
0x60: {  	_ =	shalt  }
0x61: {  	_ =	shalt  }
0x62: {  	_ =	shalt  }
0x63: {  	_ =	shalt  }
0x64: {  	_ =	shalt  }
0x65: {  	_ =	shalt  }
0x66: {  	_ =	shalt  }
0x67: {  	_ =	shalt  }
0x68: {  	_ =	shalt  }
0x69: {  	_ =	shalt  }
0x6a: {  	_ =	shalt  }
0x6b: {  	_ =	shalt  }
0x6c: {  	_ =	shalt  }
0x6d: {  	_ =	shalt  }
0x6e: {  	_ =	shalt  }
0x6f: {  	_ =	shalt  }
0x70: {  	_ =	shalt  }
0x71: {  	_ =	shalt  }
0x72: {  	_ =	shalt  }
0x73: {  	_ =	shalt  }
0x74: {  	_ =	shalt  }
0x75: {  	_ =	shalt  }
0x76: {  	_ =	shalt  }
0x77: {  	_ =	shalt  }
0x78: {  	_ =	shalt  }
0x79: {  	_ =	shalt  }
0x7a: {  	_ =	shalt  }
0x7b: {  	_ =	shalt  }
0x7c: {  	_ =	shalt  }
0x7d: {  	_ =	shalt  }
0x7e: {  	_ =	shalt  }
0x7f: {  	_ =	shalt  }
0x80: {  	_ =	shalt  }
0x81: {  	_ =	shalt  }
0x82: {  	_ =	shalt  }
0x83: {  	_ =	shalt  }
0x84: {  	_ =	shalt  }
0x85: {  	_ =	shalt  }
0x86: {  	_ =	shalt  }
0x87: {  	_ =	shalt  }
.Lfunc_end0:
.L_simem_size_0:
called_computation_lowered:
.L_overlay_start_0:
0x88: {  	s2 =	sld [smem:$0x3FD9]  }
0x89: {  	s3 =	sld [smem:$0x3FFE];
	_ =	sdelay $0x1  }
0x8a: {  	s1 =	srdreg.scid  }
0x8b: {  	s0 =	sand.u32 $0x1, s1  }
0x8c: {  	s17 =	sshll.u32 s0, $0xA;
	s2 =	sadd.s32 s3, s2  }
0x8d: {  	s2 =	sadd.s32 s2, s17  }
0x8e: {  	[smem:$0x3FC5] =	sst s2  }
0x8f: {  	_ = 	snop  }
0x90: {  	s2 =	sld [smem:$0x3FC8]  }
0x91: {  	s18 =	sld [smem:$0x3FC7]  }
0x92: {  	s4 =	sld [smem:$0x3FD0];
	(tm) =	ssettm $0x1  }
0x93: {  	s5 =	sld [smem:$0x3FFB];
	_ =	sdelay $0x3  }
0x94: {  	_ =	strace s5  }
0x95: {  	s5 =	sld [smem:$0x3FFC];
	_ =	sdelay $0x3  }
0x96: {  	_ =	strace s5  }
0x97: {  	s5 =	sld [smem:$0x3FFD];
	_ =	sdelay $0x3  }
0x98: {  	_ =	strace s5  }
0x99: {  	_ =	strace $0x8FFFFFFF  }
0x9a: {  	s19 =	sld [smem:$0x3FDB];
	_ =	sdelay $0x1  }
0x9b: {  	s6 =	simm.s32 $_scs_section_size  }
0x9c: {  	s7 =	simm.s32 $_size__tile_overlayer_lowered;
	s8 =	simm.s32 $_tile_overlayer_lowered  }
0x9d: {  	s22 =	simm.s32 $0x1BFF;
	s21 =	sshll.u32 s8, $0x1;
	s5 =	sadd.s32 s6, s19  }
0x9e: {  	s9 =	simm.s32 $0x0;
	s20 =	sshll.u32 s7, $0x1;
	s7 =	sadd.s32 s21, s5  }
0x9f: {  	[timem:s9], [sflag:s22] =	dma.local [hbm:s7], s20  }
0xa0: {  	_ =	swait.ge [sflag:s22], s20  }
0xa1: {  	s6 =	ssub.s32 $0x0, s20;
	[sflag:s22] =	ssyncset.done $0x0  }
0xa2: {  	[sflag:s22] =	ssyncadd.s32 s6;
	_ =	sdelay $0x1  }
0xa3: {  	s23 =	simm.s32 $0x1B8B  }
0xa4: {  	_ =	swait.ge [sflag:s23], $0x1  }
0xa5: {  	[sflag:s23] =	ssyncset.done $0x0  }
0xa6: {  	s25 =	simm.s32 $0x1B8E;
	s24 =	sld [smem:$0x3FFE];
	[sflag:s23] =	ssyncadd.s32 $0xFFFFFFFF  }
0xa7: {  	s26 =	simm.s32 $execute0_lowered;
	[smem:$0x3FD2] =	sst s25  }
0xa8: {  	s7 =	sshll.u32 s26, $0x1;
	_ =	strace $0x80000046;
	[dreg:$0x1] =	wrdreg $0xFFFFFFFF  }
0xa9: {  	s28 =	simm.s32 $_size_execute0_lowered;
	s5 =	sadd.s32 s5, s7;
	[dreg:$0x0] =	wrdreg $0x0  }
0xaa: {  	s7 =	sshll.u32 s28, $0x1;
	[dreg:$0x2] =	wrdreg s5  }
0xab: {  	[dreg:$0x3] =	wrdreg s7  }
0xac: {  	[dreg:$0x4] =	wrdreg $0xC0  }
0xad: {  	_ =	task [dreg:s9], $0x5FFFF  }
0xae: {  	[dreg:$0x1] =	wrdreg $0xFFFFFFFF  }
0xaf: {  	[dreg:$0x0] =	wrdreg $0x60  }
0xb0: {  	[dreg:$0x2] =	wrdreg s24  }
0xb1: {  	[dreg:$0x3] =	wrdreg s2  }
0xb2: {  	[dreg:$0x4] =	wrdreg s18  }
0xb3: {  	[dreg:$0x5] =	wrdreg s4  }
0xb4: {  	[dreg:$0x6] =	wrdreg $0x9  }
0xb5: {  	_ =	task.clear_ibuf [dreg:s9], $0x7FFFF;
	_ =	strace $0x90000046  }
0xb6: {  	s29 =	simm.s32 $0x9;
	_ =	strace $0x80000048  }
0xb7: {  	_ =	swait.ge [sflag:s29], $0x1  }
0xb8: {  	[sflag:s29] =	ssyncadd.s32 $0xFFFFFFFF  }
0xb9: {  	_ =	strace $0x90000048  }
0xba: {  	_ =	sfence  }
0xbb: {  	s30 =	sld [smem:$0x0];
	_ =	sdelay $0x2  }
0xbc: {  	s31 =	sshll.u32 s1, $0xD;
	s1 =	sshrl.u32 s1, $0x2  }
0xbd: {  	s3 =	sand.u32 $0x4000, s31;
	s1 =	sadd.s32 s1, s30  }
0xbe: {  	s0 =	sor.u32 s3, s0;
	s1 =	sshll.u32 s1, $0x11  }
0xbf: {  	s0 =	sor.u32 s1, s0  }
0xc0: {  	s0 =	sadd.s32 $0x8F2B, s0  }
0xc1: {  	[sflag:s0] =	ssyncadd.remote.s32 $0x1  }
0xc2: {  	_ =	sfence.sel $0xFFFF  }
0xc3: {  	[dreg:$0x0] =	wrdreg $0xFFFFFFFF;
	(pc) =	sbr.abs _section_cstart, $3  }
0xc4: {  	[dreg:$0x1] =	wrdreg $0xFFFFFFFF  }
0xc5: {  	_ =	task.clear_ibuf [dreg:s9], $0x2FFFF;
	_ =	strace $0x9FFFFFFF  }
0xc6: {  	(tm) =	ssettm $0x7FFFFFFF  }
0xc7: {  	_ =	shalt  }
tec
execute0_lowered:
.L_overlay_start_1:
0x0: {  	(tag) =	ssettag $0x1  }
0x1: {  	v2 =	vlaneseq.u32;
	vm0 =	vmmov $0xffff  }
0x2: {  	v3 =	vimm.s32 $0xB80;
	vm15 =	vcmask $0x300;
	v4 =	vimm.s32 $0x1B80  }
0x3: {  	vm14 =	vcmask $0x704;
	vm13 =	vcmask $0xB08;
	vm12 =	vcmask $0xF0C  }
0x4: {  	vm11 =	vcmask $0x1310;
	vm10 =	vcmask $0x1714;
	vm9 =	vcmask $0x1B18  }
0x5: {  	vm8 =	vcmask $0x1F1C;
	vm7 =	vcmask $0x2320;
	vm6 =	vcmask $0x2724  }
0x6: {  	vm5 =	vcmask $0x2B28;
	vm4 =	vcmask $0x2F2C;
	vm3 =	vcmask $0x3330  }
0x7: {  	vm2 =	vcmask $0x3734;
	vm1 =	vcmask $0x3B38;
	v5 =	vimm.s32 $0x2B80  }
0x8: {  	v6 =	vimm.s32 $0x3B80;
	v7 =	vimm.s32 $0x4B80;
	v8 =	vimm.s32 $0x5B80  }
0x9: {  	v9 =	vimm.s32 $0x6B80;
	v10 =	vimm.s32 $0x7B80;
	v1 =	vshrl.u32 v2, $0x3  }
0xa: {  	v0 =	vand.u32 $0x7, v2;
	v3 =	vsel vm15, $0x0, v3;
	v4 =	vsel vm15, $0x1000, v4  }
0xb: {  	v2 =	vor.u32 $0x8, v2;
	v5 =	vsel vm15, $0x2000, v5;
	v6 =	vsel vm15, $0x3000, v6  }
0xc: {  	v7 =	vsel vm15, $0x4000, v7;
	v8 =	vsel vm15, $0x5000, v8;
	v9 =	vsel vm15, $0x6000, v9  }
0xd: {  	v10 =	vsel vm15, $0x7000, v10;
	v1 =	vmul.u32 $0x8, v1;
	v3 =	vsel vm14, $0x80, v3  }
0xe: {  	v4 =	vsel vm14, $0x1080, v4;
	v5 =	vsel vm14, $0x2080, v5;
	v6 =	vsel vm14, $0x3080, v6  }
0xf: {  	v7 =	vsel vm14, $0x4080, v7;
	v8 =	vsel vm14, $0x5080, v8;
	v9 =	vsel vm14, $0x6080, v9  }
0x10: {  	v10 =	vsel vm14, $0x7080, v10;
	v3 =	vsel vm13, $0x100, v3;
	v4 =	vsel vm13, $0x1100, v4  }
0x11: {  	v5 =	vsel vm13, $0x2100, v5;
	v6 =	vsel vm13, $0x3100, v6;
	v7 =	vsel vm13, $0x4100, v7  }
0x12: {  	v8 =	vsel vm13, $0x5100, v8;
	v9 =	vsel vm13, $0x6100, v9;
	v10 =	vsel vm13, $0x7100, v10  }
0x13: {  	v3 =	vsel vm12, $0x180, v3;
	v4 =	vsel vm12, $0x1180, v4;
	v5 =	vsel vm12, $0x2180, v5  }
0x14: {  	v6 =	vsel vm12, $0x3180, v6;
	v7 =	vsel vm12, $0x4180, v7;
	v8 =	vsel vm12, $0x5180, v8  }
0x15: {  	v9 =	vsel vm12, $0x6180, v9;
	v10 =	vsel vm12, $0x7180, v10;
	v3 =	vsel vm11, $0x200, v3  }
0x16: {  	v4 =	vsel vm11, $0x1200, v4;
	v5 =	vsel vm11, $0x2200, v5;
	v6 =	vsel vm11, $0x3200, v6  }
0x17: {  	v7 =	vsel vm11, $0x4200, v7;
	v8 =	vsel vm11, $0x5200, v8;
	v9 =	vsel vm11, $0x6200, v9  }
0x18: {  	v10 =	vsel vm11, $0x7200, v10;
	v3 =	vsel vm10, $0x280, v3;
	v4 =	vsel vm10, $0x1280, v4  }
0x19: {  	v5 =	vsel vm10, $0x2280, v5;
	v6 =	vsel vm10, $0x3280, v6;
	v7 =	vsel vm10, $0x4280, v7  }
0x1a: {  	v8 =	vsel vm10, $0x5280, v8;
	v9 =	vsel vm10, $0x6280, v9;
	v10 =	vsel vm10, $0x7280, v10  }
0x1b: {  	v3 =	vsel vm9, $0x300, v3;
	v4 =	vsel vm9, $0x1300, v4;
	v5 =	vsel vm9, $0x2300, v5  }
0x1c: {  	v6 =	vsel vm9, $0x3300, v6;
	v7 =	vsel vm9, $0x4300, v7;
	v8 =	vsel vm9, $0x5300, v8  }
0x1d: {  	v9 =	vsel vm9, $0x6300, v9;
	v10 =	vsel vm9, $0x7300, v10;
	v3 =	vsel vm8, $0x380, v3  }
0x1e: {  	v4 =	vsel vm8, $0x1380, v4;
	v5 =	vsel vm8, $0x2380, v5;
	v6 =	vsel vm8, $0x3380, v6  }
0x1f: {  	s1 =	rddreg [dreg:$0x0];
	v7 =	vsel vm8, $0x4380, v7;
	v8 =	vsel vm8, $0x5380, v8;
	v9 =	vsel vm8, $0x6380, v9  }
0x20: {  	s2 =	rddreg [dreg:$0x1];
	v10 =	vsel vm8, $0x7380, v10;
	v3 =	vsel vm7, $0x800, v3;
	v4 =	vsel vm7, $0x1800, v4  }
0x21: {  	s0 =	rddreg [dreg:$0x2];
	s3 =	srdreg.scid;
	v5 =	vsel vm7, $0x2800, v5;
	v6 =	vsel vm7, $0x3800, v6;
	v7 =	vsel vm7, $0x4800, v7  }
0x22: {  	s4 =	rddreg [dreg:$0x3];
	s7 =	stileid.u32;
	v8 =	vsel vm7, $0x5800, v8;
	v9 =	vsel vm7, $0x6800, v9;
	v10 =	vsel vm7, $0x7800, v10  }
0x23: {  	s25 =	simm.s32 $0x200;
	s26 =	simm.s32 $0x10400;
	s12 =	simm.s32 $0x1;
	v3 =	vsel vm6, $0x880, v3;
	v4 =	vsel vm6, $0x1880, v4;
	v5 =	vsel vm6, $0x2880, v5  }
0x24: {  	s13 =	simm.s32 $0x2;
	s16 =	simm.s32 $0x1C00;
	s17 =	simm.s32 $0x2400;
	v6 =	vsel vm6, $0x3880, v6;
	v7 =	vsel vm6, $0x4880, v7;
	v8 =	vsel vm6, $0x5880, v8  }
0x25: {  	s18 =	simm.s32 $0x2C00;
	s19 =	simm.s32 $0x3400;
	s20 =	simm.s32 $0x3C00;
	v9 =	vsel vm6, $0x6880, v9;
	v10 =	vsel vm6, $0x7880, v10;
	v3 =	vsel vm5, $0x900, v3  }
0x26: {  	s21 =	simm.s32 $0x4400;
	s28 =	simm.s32 $0x6C00;
	s29 =	simm.s32 $0x7400;
	v4 =	vsel vm5, $0x1900, v4;
	v5 =	vsel vm5, $0x2900, v5;
	v6 =	vsel vm5, $0x3900, v6  }
0x27: {  	s30 =	simm.s32 $0x7C00;
	s31 =	simm.s32 $0x8C00;
	s8 =	simm.s32 $0xAC00;
	v7 =	vsel vm5, $0x4900, v7;
	v8 =	vsel vm5, $0x5900, v8;
	v9 =	vsel vm5, $0x6900, v9  }
0x28: {  	s9 =	simm.s32 $0xB400;
	s10 =	simm.s32 $0xBC00;
	s11 =	simm.s32 $0xC400;
	v10 =	vsel vm5, $0x7900, v10;
	v3 =	vsel vm4, $0x980, v3;
	v4 =	vsel vm4, $0x1980, v4  }
0x29: {  	s5 =	sand.u32 $0x1, s3;
	s3 =	simm.s32 $0x0;
	s7 =	sshll.u32 s7, $0x7;
	v5 =	vsel vm4, $0x2980, v5;
	v6 =	vsel vm4, $0x3980, v6;
	v7 =	vsel vm4, $0x4980, v7  }
0x2a: {  	s6 =	sshll.u32 s5, $0x6;
	[smem:$0x7FF] =	sst s3;
	s5 =	ssub.s32 $0x2, s5;
	v8 =	vsel vm4, $0x5980, v8;
	v9 =	vsel vm4, $0x6980, v9;
	v10 =	vsel vm4, $0x7980, v10  }
0x2b: {  	s1 =	sadd.s32 s6, s1;
	_ =	strace $0x80000047;
	[dreg:$0x8] =	wrdreg s25;
	v3 =	vsel vm3, $0xA00, v3;
	v4 =	vsel vm3, $0x1A00, v4;
	v5 =	vsel vm3, $0x2A00, v5  }
0x2c: {  	s6 =	sor.u32 s6, s7;
	s23 =	sshrl.u32 s5, $0x1;
	[dreg:$0x9] =	wrdreg s26;
	v6 =	vsel vm3, $0x3A00, v6;
	v7 =	vsel vm3, $0x4A00, v7;
	v8 =	vsel vm3, $0x5A00, v8  }
0x2d: {  	s25 =	simm.s32 $0x5C00;
	s26 =	simm.s32 $0x6400;
	s1 =	sadd.s32 s7, s1;
	v9 =	vsel vm3, $0x6A00, v9;
	v10 =	vsel vm3, $0x7A00, v10;
	v3 =	vsel vm2, $0xA80, v3  }
0x2e: {  	s22 =	sadd.s32 s2, s6;
	s24 =	sadd.s32 s4, s6;
	s2 =	ssub.s32 s5, s23;
	v4 =	vsel vm2, $0x1A80, v4;
	v5 =	vsel vm2, $0x2A80, v5;
	v6 =	vsel vm2, $0x3A80, v6  }
0x2f: {  	s5 =	simm.s32 $0x3;
	s6 =	simm.s32 $0x400;
	s23 =	simm.s32 $0x4C00;
	v7 =	vsel vm2, $0x4A80, v7;
	v8 =	vsel vm2, $0x5A80, v8;
	v9 =	vsel vm2, $0x6A80, v9  }
0x30: {  	s7 =	simm.s32 $0xA400;
	s1 =	sadd.s32 $0x600, s1;
	[dreg:$0x6] =	wrdreg s22;
	v10 =	vsel vm2, $0x7A80, v10;
	v3 =	vsel vm1, $0xB00, v3;
	v4 =	vsel vm1, $0x1B00, v4  }
0x31: {  	[dreg:$0x7] =	wrdreg s24;
	s4 =	smax.u32 s2, $0x1;
	s22 =	simm.s32 $0x8400;
	v5 =	vsel vm1, $0x2B00, v5;
	v6 =	vsel vm1, $0x3B00, v6;
	v7 =	vsel vm1, $0x4B00, v7  }
0x32: {  	s24 =	simm.s32 $0x5400;
	s2 =	simm.s32 $0x9C00;
	[dreg:$0x5] =	wrdreg s1;
	v8 =	vsel vm1, $0x5B00, v8;
	v9 =	vsel vm1, $0x6B00, v9;
	v10 =	vsel vm1, $0x7B00, v10  }
.LBB2_1:
0x33: {  	s14 =	rddreg [dreg:$0x5]  }
0x34: {  	[tilespmem:s3], [sflag:$0x3] =	stream.linear.gather [hbm4b:s14+s3], $0x200, $0x38;
	[tilespmem:$0x10600] =	vst v63  }
0x35: {  	_ =	swait.ge [sflag:s5], $0x200  }
0x36: {  	s1 =	rddreg [dreg:$0x6];
	[sflag:s5] =	ssyncset.done $0x0  }
0x37: {  	s15 =	rddreg [dreg:$0x8];
	[sflag:s5] =	ssyncadd.s32 $0xFFFFFE00  }
0x38: {  	[tilespmem:s15], [sflag:$0x3] =	stream.linear.gather [hbm4b:s1+s3], $0x200, $0x38;
	[tilespmem:$0x10600] =	vst v63  }
0x39: {  	_ =	swait.ge [sflag:s5], $0x200  }
0x3a: {  	[sflag:s5] =	ssyncset.done $0x0  }
0x3b: {  	[sflag:s5] =	ssyncadd.s32 $0xFFFFFE00  }
0x3c: {  	v11 =	vld [tilespmem:$0x0];
	_ =	sdelay $0x4  }
0x3d: {  	v12 =	vshll.u32 v11, $0x1  }
0x3e: {  	v11 =	vand.u32 $0x7, v11;
	v12 =	vand.u32 $0xFFFFFFF0, v12  }
0x3f: {  	v11 =	vor.u32 v11, v12  }
0x40: {  	v12 =	vperm.xlane v11, v0;
	_ =	sdelay $0x1  }
0x41: {  	v11 =	vperm.xlane v11, v2;
	v12 =	vadd.s32 v1, v12;
	_ =	sdelay $0x1  }
0x42: {  	v11 =	vadd.s32 v1, v11;
	_ =	sdelay $0x2  }
0x43: {  	[tilespmem:s6], [sflag:$0x1] =	stream.indirect_vreg.gather [hbm4b:s0+s3], $0x80, v12, vm0, $0xb8;
	[tilespmem:$0x10600] =	vst v63  }
0x44: {  	s14 =	simm.s32 $0xC00  }
0x45: {  	[tilespmem:s14], [sflag:$0x1] =	stream.indirect_vreg.gather [hbm4b:s0+s3], $0x80, v11, vm0, $0xb8;
	[tilespmem:$0x10600] =	vst v63  }
0x46: {  	v11 =	vld [tilespmem:$0x10];
	_ =	sdelay $0x4  }
0x47: {  	v54 =	vshll.u32 v11, $0x1  }
0x48: {  	v11 =	vand.u32 $0x7, v11;
	v12 =	vand.u32 $0xFFFFFFF0, v54  }
0x49: {  	v11 =	vor.u32 v11, v12  }
0x4a: {  	v12 =	vperm.xlane v11, v0;
	_ =	sdelay $0x1  }
0x4b: {  	v11 =	vperm.xlane v11, v2;
	v12 =	vadd.s32 v1, v12;
	_ =	sdelay $0x1  }
0x4c: {  	v11 =	vadd.s32 v1, v11;
	_ =	sdelay $0x1  }
0x4d: {  	s15 =	simm.s32 $0x1400  }
0x4e: {  	[tilespmem:s15], [sflag:$0x1] =	stream.indirect_vreg.gather [hbm4b:s0+s3], $0x80, v12, vm0, $0xb8;
	[tilespmem:$0x10600] =	vst v63  }
0x4f: {  	_ = 	snop  }
0x50: {  	[tilespmem:s16], [sflag:$0x1] =	stream.indirect_vreg.gather [hbm4b:s0+s3], $0x80, v11, vm0, $0xb8;
	[tilespmem:$0x10600] =	vst v63  }
0x51: {  	v11 =	vld [tilespmem:$0x20];
	_ =	sdelay $0x4  }
0x52: {  	v55 =	vshll.u32 v11, $0x1  }
0x53: {  	v11 =	vand.u32 $0x7, v11;
	v12 =	vand.u32 $0xFFFFFFF0, v55  }
0x54: {  	v11 =	vor.u32 v11, v12  }
0x55: {  	v12 =	vperm.xlane v11, v0;
	_ =	sdelay $0x1  }
0x56: {  	v11 =	vperm.xlane v11, v2;
	v12 =	vadd.s32 v1, v12;
	_ =	sdelay $0x1  }
0x57: {  	v11 =	vadd.s32 v1, v11;
	_ =	sdelay $0x2  }
0x58: {  	[tilespmem:s17], [sflag:$0x1] =	stream.indirect_vreg.gather [hbm4b:s0+s3], $0x80, v12, vm0, $0xb8;
	[tilespmem:$0x10600] =	vst v63  }
0x59: {  	_ = 	snop  }
0x5a: {  	[tilespmem:s18], [sflag:$0x1] =	stream.indirect_vreg.gather [hbm4b:s0+s3], $0x80, v11, vm0, $0xb8;
	[tilespmem:$0x10600] =	vst v63  }
0x5b: {  	v11 =	vld [tilespmem:$0x30];
	_ =	sdelay $0x4  }
0x5c: {  	v56 =	vshll.u32 v11, $0x1  }
0x5d: {  	v11 =	vand.u32 $0x7, v11;
	v12 =	vand.u32 $0xFFFFFFF0, v56  }
0x5e: {  	v11 =	vor.u32 v11, v12  }
0x5f: {  	v12 =	vperm.xlane v11, v0;
	_ =	sdelay $0x1  }
0x60: {  	v11 =	vperm.xlane v11, v2;
	v12 =	vadd.s32 v1, v12;
	_ =	sdelay $0x1  }
0x61: {  	v11 =	vadd.s32 v1, v11;
	_ =	sdelay $0x2  }
0x62: {  	[tilespmem:s19], [sflag:$0x1] =	stream.indirect_vreg.gather [hbm4b:s0+s3], $0x80, v12, vm0, $0xb8;
	[tilespmem:$0x10600] =	vst v63  }
0x63: {  	_ = 	snop  }
0x64: {  	[tilespmem:s20], [sflag:$0x1] =	stream.indirect_vreg.gather [hbm4b:s0+s3], $0x80, v11, vm0, $0xb8;
	[tilespmem:$0x10600] =	vst v63  }
0x65: {  	v11 =	vld [tilespmem:$0x40];
	_ =	sdelay $0x4  }
0x66: {  	v57 =	vshll.u32 v11, $0x1  }
0x67: {  	v11 =	vand.u32 $0x7, v11;
	v12 =	vand.u32 $0xFFFFFFF0, v57  }
0x68: {  	v11 =	vor.u32 v11, v12  }
0x69: {  	v12 =	vperm.xlane v11, v0;
	_ =	sdelay $0x1  }
0x6a: {  	v11 =	vperm.xlane v11, v2;
	v12 =	vadd.s32 v1, v12;
	_ =	sdelay $0x1  }
0x6b: {  	v11 =	vadd.s32 v1, v11;
	_ =	sdelay $0x2  }
0x6c: {  	[tilespmem:s21], [sflag:$0x1] =	stream.indirect_vreg.gather [hbm4b:s0+s3], $0x80, v12, vm0, $0xb8;
	[tilespmem:$0x10600] =	vst v63  }
0x6d: {  	_ = 	snop  }
0x6e: {  	[tilespmem:s23], [sflag:$0x1] =	stream.indirect_vreg.gather [hbm4b:s0+s3], $0x80, v11, vm0, $0xb8;
	[tilespmem:$0x10600] =	vst v63  }
0x6f: {  	v11 =	vld [tilespmem:$0x50];
	_ =	sdelay $0x4  }
0x70: {  	v58 =	vshll.u32 v11, $0x1  }
0x71: {  	v11 =	vand.u32 $0x7, v11;
	v12 =	vand.u32 $0xFFFFFFF0, v58  }
0x72: {  	v11 =	vor.u32 v11, v12  }
0x73: {  	v12 =	vperm.xlane v11, v0;
	_ =	sdelay $0x1  }
0x74: {  	v11 =	vperm.xlane v11, v2;
	v12 =	vadd.s32 v1, v12;
	_ =	sdelay $0x1  }
0x75: {  	v11 =	vadd.s32 v1, v11;
	_ =	sdelay $0x2  }
0x76: {  	[tilespmem:s24], [sflag:$0x1] =	stream.indirect_vreg.gather [hbm4b:s0+s3], $0x80, v12, vm0, $0xb8;
	[tilespmem:$0x10600] =	vst v63  }
0x77: {  	_ = 	snop  }
0x78: {  	[tilespmem:s25], [sflag:$0x1] =	stream.indirect_vreg.gather [hbm4b:s0+s3], $0x80, v11, vm0, $0xb8;
	[tilespmem:$0x10600] =	vst v63  }
0x79: {  	v11 =	vld [tilespmem:$0x60];
	_ =	sdelay $0x4  }
0x7a: {  	v59 =	vshll.u32 v11, $0x1  }
0x7b: {  	v11 =	vand.u32 $0x7, v11;
	v12 =	vand.u32 $0xFFFFFFF0, v59  }
0x7c: {  	v11 =	vor.u32 v11, v12  }
0x7d: {  	v12 =	vperm.xlane v11, v0;
	_ =	sdelay $0x1  }
0x7e: {  	v11 =	vperm.xlane v11, v2;
	v12 =	vadd.s32 v1, v12;
	_ =	sdelay $0x1  }
0x7f: {  	v11 =	vadd.s32 v1, v11;
	_ =	sdelay $0x2  }
0x80: {  	[tilespmem:s26], [sflag:$0x1] =	stream.indirect_vreg.gather [hbm4b:s0+s3], $0x80, v12, vm0, $0xb8;
	[tilespmem:$0x10600] =	vst v63  }
0x81: {  	_ = 	snop  }
0x82: {  	[tilespmem:s28], [sflag:$0x1] =	stream.indirect_vreg.gather [hbm4b:s0+s3], $0x80, v11, vm0, $0xb8;
	[tilespmem:$0x10600] =	vst v63  }
0x83: {  	v11 =	vld [tilespmem:$0x70];
	_ =	sdelay $0x4  }
0x84: {  	v60 =	vshll.u32 v11, $0x1  }
0x85: {  	v11 =	vand.u32 $0x7, v11;
	v12 =	vand.u32 $0xFFFFFFF0, v60  }
0x86: {  	v11 =	vor.u32 v11, v12  }
0x87: {  	v12 =	vperm.xlane v11, v0;
	_ =	sdelay $0x1  }
0x88: {  	v11 =	vperm.xlane v11, v2;
	v12 =	vadd.s32 v1, v12;
	_ =	sdelay $0x1  }
0x89: {  	v11 =	vadd.s32 v1, v11;
	_ =	sdelay $0x2  }
0x8a: {  	[tilespmem:s29], [sflag:$0x1] =	stream.indirect_vreg.gather [hbm4b:s0+s3], $0x80, v12, vm0, $0xb8;
	[tilespmem:$0x10600] =	vst v63  }
0x8b: {  	_ = 	snop  }
0x8c: {  	[tilespmem:s30], [sflag:$0x1] =	stream.indirect_vreg.gather [hbm4b:s0+s3], $0x80, v11, vm0, $0xb8;
	[tilespmem:$0x10600] =	vst v63  }
0x8d: {  	v11 =	vld [tilespmem:$0x80];
	_ =	sdelay $0x4  }
0x8e: {  	v61 =	vshll.u32 v11, $0x1  }
0x8f: {  	v11 =	vand.u32 $0x7, v11;
	v12 =	vand.u32 $0xFFFFFFF0, v61  }
0x90: {  	v11 =	vor.u32 v11, v12  }
0x91: {  	v12 =	vperm.xlane v11, v0;
	_ =	sdelay $0x1  }
0x92: {  	v11 =	vperm.xlane v11, v2;
	v12 =	vadd.s32 v1, v12;
	_ =	sdelay $0x1  }
0x93: {  	v11 =	vadd.s32 v1, v11;
	_ =	sdelay $0x2  }
0x94: {  	[tilespmem:s22], [sflag:$0x2] =	stream.indirect_vreg.gather [hbm4b:s0+s3], $0x80, v12, vm0, $0xb8;
	[tilespmem:$0x10600] =	vst v63  }
0x95: {  	_ = 	snop  }
0x96: {  	[tilespmem:s31], [sflag:$0x2] =	stream.indirect_vreg.gather [hbm4b:s0+s3], $0x80, v11, vm0, $0xb8;
	[tilespmem:$0x10600] =	vst v63  }
0x97: {  	v11 =	vld [tilespmem:$0x90];
	_ =	sdelay $0x4  }
0x98: {  	v62 =	vshll.u32 v11, $0x1  }
0x99: {  	v11 =	vand.u32 $0x7, v11;
	v12 =	vand.u32 $0xFFFFFFF0, v62  }
0x9a: {  	v11 =	vor.u32 v11, v12  }
0x9b: {  	v12 =	vperm.xlane v11, v0;
	_ =	sdelay $0x1  }
0x9c: {  	v11 =	vperm.xlane v11, v2;
	v12 =	vadd.s32 v1, v12;
	_ =	sdelay $0x1  }
0x9d: {  	v11 =	vadd.s32 v1, v11;
	_ =	sdelay $0x1  }
0x9e: {  	s1 =	simm.s32 $0x9400  }
0x9f: {  	[tilespmem:s1], [sflag:$0x2] =	stream.indirect_vreg.gather [hbm4b:s0+s3], $0x80, v12, vm0, $0xb8;
	[tilespmem:$0x10600] =	vst v63  }
0xa0: {  	_ = 	snop  }
0xa1: {  	[tilespmem:s2], [sflag:$0x2] =	stream.indirect_vreg.gather [hbm4b:s0+s3], $0x80, v11, vm0, $0xb8;
	[tilespmem:$0x10600] =	vst v63  }
0xa2: {  	v11 =	vld [tilespmem:$0xA0];
	_ =	sdelay $0x4  }
0xa3: {  	v63 =	vshll.u32 v11, $0x1  }
0xa4: {  	v11 =	vand.u32 $0x7, v11;
	v12 =	vand.u32 $0xFFFFFFF0, v63  }
0xa5: {  	v11 =	vor.u32 v11, v12  }
0xa6: {  	v12 =	vperm.xlane v11, v0;
	_ =	sdelay $0x1  }
0xa7: {  	v11 =	vperm.xlane v11, v2;
	v12 =	vadd.s32 v1, v12;
	_ =	sdelay $0x1  }
0xa8: {  	v11 =	vadd.s32 v1, v11;
	_ =	sdelay $0x2  }
0xa9: {  	[tilespmem:s7], [sflag:$0x2] =	stream.indirect_vreg.gather [hbm4b:s0+s3], $0x80, v12, vm0, $0xb8;
	[tilespmem:$0x10600] =	vst v63  }
0xaa: {  	_ = 	snop  }
0xab: {  	[tilespmem:s8], [sflag:$0x2] =	stream.indirect_vreg.gather [hbm4b:s0+s3], $0x80, v11, vm0, $0xb8;
	[tilespmem:$0x10600] =	vst v63  }
0xac: {  	v11 =	vld [tilespmem:$0xB0];
	_ =	sdelay $0x4  }
0xad: {  	v16 =	vshll.u32 v11, $0x1  }
0xae: {  	v11 =	vand.u32 $0x7, v11;
	v12 =	vand.u32 $0xFFFFFFF0, v16  }
0xaf: {  	v11 =	vor.u32 v11, v12  }
0xb0: {  	v12 =	vperm.xlane v11, v0;
	_ =	sdelay $0x1  }
0xb1: {  	v11 =	vperm.xlane v11, v2;
	v12 =	vadd.s32 v1, v12;
	_ =	sdelay $0x1  }
0xb2: {  	v11 =	vadd.s32 v1, v11;
	_ =	sdelay $0x2  }
0xb3: {  	[tilespmem:s9], [sflag:$0x2] =	stream.indirect_vreg.gather [hbm4b:s0+s3], $0x80, v12, vm0, $0xb8;
	[tilespmem:$0x10600] =	vst v63  }
0xb4: {  	_ = 	snop  }
0xb5: {  	[tilespmem:s10], [sflag:$0x2] =	stream.indirect_vreg.gather [hbm4b:s0+s3], $0x80, v11, vm0, $0xb8;
	[tilespmem:$0x10600] =	vst v63  }
0xb6: {  	v11 =	vld [tilespmem:$0xC0];
	_ =	sdelay $0x4  }
0xb7: {  	v17 =	vshll.u32 v11, $0x1  }
0xb8: {  	v11 =	vand.u32 $0x7, v11;
	v12 =	vand.u32 $0xFFFFFFF0, v17  }
0xb9: {  	v11 =	vor.u32 v11, v12  }
0xba: {  	v12 =	vperm.xlane v11, v0;
	_ =	sdelay $0x1  }
0xbb: {  	v11 =	vperm.xlane v11, v2;
	v12 =	vadd.s32 v1, v12;
	_ =	sdelay $0x1  }
0xbc: {  	v11 =	vadd.s32 v1, v11;
	_ =	sdelay $0x2  }
0xbd: {  	[tilespmem:s11], [sflag:$0x2] =	stream.indirect_vreg.gather [hbm4b:s0+s3], $0x80, v12, vm0, $0xb8;
	[tilespmem:$0x10600] =	vst v63  }
0xbe: {  	s1 =	simm.s32 $0xCC00  }
0xbf: {  	[tilespmem:s1], [sflag:$0x2] =	stream.indirect_vreg.gather [hbm4b:s0+s3], $0x80, v11, vm0, $0xb8;
	[tilespmem:$0x10600] =	vst v63  }
0xc0: {  	v11 =	vld [tilespmem:$0xD0];
	_ =	sdelay $0x4  }
0xc1: {  	v18 =	vshll.u32 v11, $0x1  }
0xc2: {  	v11 =	vand.u32 $0x7, v11;
	v12 =	vand.u32 $0xFFFFFFF0, v18  }
0xc3: {  	v11 =	vor.u32 v11, v12  }
0xc4: {  	v12 =	vperm.xlane v11, v0;
	_ =	sdelay $0x1  }
0xc5: {  	v11 =	vperm.xlane v11, v2;
	v12 =	vadd.s32 v1, v12;
	_ =	sdelay $0x1  }
0xc6: {  	v11 =	vadd.s32 v1, v11;
	_ =	sdelay $0x1  }
0xc7: {  	s1 =	simm.s32 $0xD400  }
0xc8: {  	[tilespmem:s1], [sflag:$0x2] =	stream.indirect_vreg.gather [hbm4b:s0+s3], $0x80, v12, vm0, $0xb8;
	[tilespmem:$0x10600] =	vst v63  }
0xc9: {  	s1 =	simm.s32 $0xDC00  }
0xca: {  	[tilespmem:s1], [sflag:$0x2] =	stream.indirect_vreg.gather [hbm4b:s0+s3], $0x80, v11, vm0, $0xb8;
	[tilespmem:$0x10600] =	vst v63  }
0xcb: {  	v11 =	vld [tilespmem:$0xE0];
	_ =	sdelay $0x4  }
0xcc: {  	v19 =	vshll.u32 v11, $0x1  }
0xcd: {  	v11 =	vand.u32 $0x7, v11;
	v12 =	vand.u32 $0xFFFFFFF0, v19  }
0xce: {  	v11 =	vor.u32 v11, v12  }
0xcf: {  	v12 =	vperm.xlane v11, v0;
	_ =	sdelay $0x1  }
0xd0: {  	v11 =	vperm.xlane v11, v2;
	v12 =	vadd.s32 v1, v12;
	_ =	sdelay $0x1  }
0xd1: {  	v11 =	vadd.s32 v1, v11;
	_ =	sdelay $0x1  }
0xd2: {  	s1 =	simm.s32 $0xE400  }
0xd3: {  	[tilespmem:s1], [sflag:$0x2] =	stream.indirect_vreg.gather [hbm4b:s0+s3], $0x80, v12, vm0, $0xb8;
	[tilespmem:$0x10600] =	vst v63  }
0xd4: {  	s1 =	simm.s32 $0xEC00  }
0xd5: {  	[tilespmem:s1], [sflag:$0x2] =	stream.indirect_vreg.gather [hbm4b:s0+s3], $0x80, v11, vm0, $0xb8;
	[tilespmem:$0x10600] =	vst v63  }
0xd6: {  	v11 =	vld [tilespmem:$0xF0];
	_ =	sdelay $0x4  }
0xd7: {  	v20 =	vshll.u32 v11, $0x1  }
0xd8: {  	v11 =	vand.u32 $0x7, v11;
	v12 =	vand.u32 $0xFFFFFFF0, v20  }
0xd9: {  	v11 =	vor.u32 v11, v12  }
0xda: {  	v12 =	vperm.xlane v11, v0;
	_ =	sdelay $0x1  }
0xdb: {  	v11 =	vperm.xlane v11, v2;
	v12 =	vadd.s32 v1, v12;
	_ =	sdelay $0x1  }
0xdc: {  	v11 =	vadd.s32 v1, v11;
	_ =	sdelay $0x1  }
0xdd: {  	s1 =	simm.s32 $0xF400  }
0xde: {  	[tilespmem:s1], [sflag:$0x2] =	stream.indirect_vreg.gather [hbm4b:s0+s3], $0x80, v12, vm0, $0xb8;
	[tilespmem:$0x10600] =	vst v63  }
0xdf: {  	s1 =	simm.s32 $0xFC00  }
0xe0: {  	[tilespmem:s1], [sflag:$0x2] =	stream.indirect_vreg.gather [hbm4b:s0+s3], $0x80, v11, vm0, $0xb8;
	[tilespmem:$0x10600] =	vst v63  }
0xe1: {  	_ =	swait.ge [sflag:s12], $0x8000  }
0xe2: {  	[sflag:s12] =	ssyncset.done $0x0  }
0xe3: {  	[sflag:s12] =	ssyncadd.s32 $0xFFFF8000  }
0xe4: {  	v11 =	vld [tilespmem:$0x200];
	_ =	sdelay $0x4  }
0xe5: {  	v21 =	vshll.u32 v11, $0x3  }
0xe6: {  	v13 =	vld [tilespmem:$0x210];
	v11 =	vand.u32 $0x7F, v11;
	v12 =	vand.u32 $0xFFFFFC00, v21  }
0xe7: {  	v11 =	vor.u32 v11, v12  }
0xe8: {  	v11 =	vadd.s32 v3, v11;
	_ =	sdelay $0x2  }
0xe9: {  	v22 =	vshll.u32 v13, $0x3  }
0xea: {  	v14 =	vld [tilespmem:$0x220];
	v13 =	vand.u32 $0x7F, v13;
	v12 =	vand.u32 $0xFFFFFC00, v22  }
0xeb: {  	v12 =	vor.u32 v13, v12;
	v11 =	vld.idx.msk [tilespmem:v11+s6+$0x0], $0xffff  }
0xec: {  	v12 =	vadd.s32 v4, v12;
	_ =	sdelay $0x2  }
0xed: {  	v23 =	vshll.u32 v14, $0x3  }
0xee: {  	v24 =	vld [tilespmem:$0x230];
	v13 =	vand.u32 $0xFFFFFC00, v23;
	[tilespmem:$0x10400] =	vst v11;
	v11 =	vand.u32 $0x7F, v14  }
0xef: {  	v12 =	vld.idx.msk [tilespmem:v12+s6+$0x0], $0xffff;
	v11 =	vor.u32 v11, v13  }
0xf0: {  	v11 =	vadd.s32 v5, v11;
	_ =	sdelay $0x2  }
0xf1: {  	v25 =	vshll.u32 v24, $0x3  }
0xf2: {  	v27 =	vld [tilespmem:$0x240];
	v26 =	vand.u32 $0x7F, v24;
	v13 =	vand.u32 $0xFFFFFC00, v25;
	[tilespmem:$0x10410] =	vst v12  }
0xf3: {  	v12 =	vor.u32 v26, v13;
	v11 =	vld.idx.msk [tilespmem:v11+s6+$0x0], $0xffff  }
0xf4: {  	v12 =	vadd.s32 v6, v12;
	_ =	sdelay $0x2  }
0xf5: {  	v28 =	vshll.u32 v27, $0x3  }
0xf6: {  	v29 =	vld [tilespmem:$0x250];
	v13 =	vand.u32 $0xFFFFFC00, v28;
	[tilespmem:$0x10420] =	vst v11;
	v11 =	vand.u32 $0x7F, v27  }
0xf7: {  	v12 =	vld.idx.msk [tilespmem:v12+s6+$0x0], $0xffff;
	v11 =	vor.u32 v11, v13  }
0xf8: {  	v11 =	vadd.s32 v7, v11;
	_ =	sdelay $0x2  }
0xf9: {  	v30 =	vshll.u32 v29, $0x3  }
0xfa: {  	v32 =	vld [tilespmem:$0x260];
	v31 =	vand.u32 $0x7F, v29;
	v13 =	vand.u32 $0xFFFFFC00, v30;
	[tilespmem:$0x10430] =	vst v12  }
0xfb: {  	v12 =	vor.u32 v31, v13;
	v11 =	vld.idx.msk [tilespmem:v11+s6+$0x0], $0xffff  }
0xfc: {  	v12 =	vadd.s32 v8, v12;
	_ =	sdelay $0x2  }
0xfd: {  	v33 =	vshll.u32 v32, $0x3  }
0xfe: {  	v34 =	vld [tilespmem:$0x270];
	v13 =	vand.u32 $0xFFFFFC00, v33;
	[tilespmem:$0x10440] =	vst v11;
	v11 =	vand.u32 $0x7F, v32  }
0xff: {  	v12 =	vld.idx.msk [tilespmem:v12+s6+$0x0], $0xffff;
	v11 =	vor.u32 v11, v13  }
0x100: {  	v11 =	vadd.s32 v9, v11;
	_ =	sdelay $0x1  }
0x101: {  	v35 =	vld [tilespmem:$0x100]  }
0x102: {  	v15 =	vshll.u32 v34, $0x3  }
0x103: {  	v36 =	vand.u32 $0x7F, v34;
	v37 =	vand.u32 $0xFFFFFC00, v15;
	[tilespmem:$0x10450] =	vst v12  }
0x104: {  	v12 =	vor.u32 v36, v37;
	v11 =	vld.idx.msk [tilespmem:v11+s6+$0x0], $0xffff  }
0x105: {  	v12 =	vadd.s32 v10, v12  }
0x106: {  	v38 =	vshll.u32 v35, $0x1  }
0x107: {  	v14 =	vand.u32 $0xFFFFFFF0, v38;
	v13 =	vand.u32 $0x7, v35  }
0x108: {  	v13 =	vor.u32 v13, v14  }
0x109: {  	[tilespmem:$0x10460] =	vst v11;
	v11 =	vperm.xlane v13, v0  }
0x10a: {  	v12 =	vld.idx.msk [tilespmem:v12+s6+$0x0], $0xffff  }
0x10b: {  	v13 =	vperm.xlane v13, v2;
	v11 =	vadd.s32 v1, v11;
	_ =	sdelay $0x1  }
0x10c: {  	v13 =	vadd.s32 v1, v13;
	_ =	sdelay $0x1  }
0x10d: {  	[tilespmem:$0x10470] =	vst v12  }
0x10e: {  	[tilespmem:s6], [sflag:$0x1] =	stream.indirect_vreg.gather [hbm4b:s0+s3], $0x80, v11, vm0, $0xb8;
	[tilespmem:$0x10600] =	vst v63  }
0x10f: {  	_ = 	snop  }
0x110: {  	[tilespmem:s14], [sflag:$0x1] =	stream.indirect_vreg.gather [hbm4b:s0+s3], $0x80, v13, vm0, $0xb8;
	[tilespmem:$0x10600] =	vst v63  }
0x111: {  	v11 =	vld [tilespmem:$0x110];
	_ =	sdelay $0x4  }
0x112: {  	v39 =	vshll.u32 v11, $0x1  }
0x113: {  	v11 =	vand.u32 $0x7, v11;
	v12 =	vand.u32 $0xFFFFFFF0, v39  }
0x114: {  	v11 =	vor.u32 v11, v12  }
0x115: {  	v12 =	vperm.xlane v11, v0;
	_ =	sdelay $0x1  }
0x116: {  	v11 =	vperm.xlane v11, v2;
	v12 =	vadd.s32 v1, v12;
	_ =	sdelay $0x1  }
0x117: {  	v11 =	vadd.s32 v1, v11;
	_ =	sdelay $0x2  }
0x118: {  	[tilespmem:s15], [sflag:$0x1] =	stream.indirect_vreg.gather [hbm4b:s0+s3], $0x80, v12, vm0, $0xb8;
	[tilespmem:$0x10600] =	vst v63  }
0x119: {  	_ = 	snop  }
0x11a: {  	[tilespmem:s16], [sflag:$0x1] =	stream.indirect_vreg.gather [hbm4b:s0+s3], $0x80, v11, vm0, $0xb8;
	[tilespmem:$0x10600] =	vst v63  }
0x11b: {  	v11 =	vld [tilespmem:$0x120];
	_ =	sdelay $0x4  }
0x11c: {  	v40 =	vshll.u32 v11, $0x1  }
0x11d: {  	v11 =	vand.u32 $0x7, v11;
	v12 =	vand.u32 $0xFFFFFFF0, v40  }
0x11e: {  	v11 =	vor.u32 v11, v12  }
0x11f: {  	v12 =	vperm.xlane v11, v0;
	_ =	sdelay $0x1  }
0x120: {  	v11 =	vperm.xlane v11, v2;
	v12 =	vadd.s32 v1, v12;
	_ =	sdelay $0x1  }
0x121: {  	v11 =	vadd.s32 v1, v11;
	_ =	sdelay $0x2  }
0x122: {  	[tilespmem:s17], [sflag:$0x1] =	stream.indirect_vreg.gather [hbm4b:s0+s3], $0x80, v12, vm0, $0xb8;
	[tilespmem:$0x10600] =	vst v63  }
0x123: {  	_ = 	snop  }
0x124: {  	[tilespmem:s18], [sflag:$0x1] =	stream.indirect_vreg.gather [hbm4b:s0+s3], $0x80, v11, vm0, $0xb8;
	[tilespmem:$0x10600] =	vst v63  }
0x125: {  	v11 =	vld [tilespmem:$0x130];
	_ =	sdelay $0x4  }
0x126: {  	v41 =	vshll.u32 v11, $0x1  }
0x127: {  	v11 =	vand.u32 $0x7, v11;
	v12 =	vand.u32 $0xFFFFFFF0, v41  }
0x128: {  	v11 =	vor.u32 v11, v12  }
0x129: {  	v12 =	vperm.xlane v11, v0;
	_ =	sdelay $0x1  }
0x12a: {  	v11 =	vperm.xlane v11, v2;
	v12 =	vadd.s32 v1, v12;
	_ =	sdelay $0x1  }
0x12b: {  	v11 =	vadd.s32 v1, v11;
	_ =	sdelay $0x2  }
0x12c: {  	[tilespmem:s19], [sflag:$0x1] =	stream.indirect_vreg.gather [hbm4b:s0+s3], $0x80, v12, vm0, $0xb8;
	[tilespmem:$0x10600] =	vst v63  }
0x12d: {  	_ = 	snop  }
0x12e: {  	[tilespmem:s20], [sflag:$0x1] =	stream.indirect_vreg.gather [hbm4b:s0+s3], $0x80, v11, vm0, $0xb8;
	[tilespmem:$0x10600] =	vst v63  }
0x12f: {  	v11 =	vld [tilespmem:$0x140];
	_ =	sdelay $0x4  }
0x130: {  	v42 =	vshll.u32 v11, $0x1  }
0x131: {  	v11 =	vand.u32 $0x7, v11;
	v12 =	vand.u32 $0xFFFFFFF0, v42  }
0x132: {  	v11 =	vor.u32 v11, v12  }
0x133: {  	v12 =	vperm.xlane v11, v0;
	_ =	sdelay $0x1  }
0x134: {  	v11 =	vperm.xlane v11, v2;
	v12 =	vadd.s32 v1, v12;
	_ =	sdelay $0x1  }
0x135: {  	v11 =	vadd.s32 v1, v11;
	_ =	sdelay $0x2  }
0x136: {  	[tilespmem:s21], [sflag:$0x1] =	stream.indirect_vreg.gather [hbm4b:s0+s3], $0x80, v12, vm0, $0xb8;
	[tilespmem:$0x10600] =	vst v63  }
0x137: {  	_ = 	snop  }
0x138: {  	[tilespmem:s23], [sflag:$0x1] =	stream.indirect_vreg.gather [hbm4b:s0+s3], $0x80, v11, vm0, $0xb8;
	[tilespmem:$0x10600] =	vst v63  }
0x139: {  	v11 =	vld [tilespmem:$0x150];
	_ =	sdelay $0x4  }
0x13a: {  	v43 =	vshll.u32 v11, $0x1  }
0x13b: {  	v11 =	vand.u32 $0x7, v11;
	v12 =	vand.u32 $0xFFFFFFF0, v43  }
0x13c: {  	v11 =	vor.u32 v11, v12  }
0x13d: {  	v12 =	vperm.xlane v11, v0;
	_ =	sdelay $0x1  }
0x13e: {  	v11 =	vperm.xlane v11, v2;
	v12 =	vadd.s32 v1, v12;
	_ =	sdelay $0x1  }
0x13f: {  	v11 =	vadd.s32 v1, v11;
	_ =	sdelay $0x2  }
0x140: {  	[tilespmem:s24], [sflag:$0x1] =	stream.indirect_vreg.gather [hbm4b:s0+s3], $0x80, v12, vm0, $0xb8;
	[tilespmem:$0x10600] =	vst v63  }
0x141: {  	_ = 	snop  }
0x142: {  	[tilespmem:s25], [sflag:$0x1] =	stream.indirect_vreg.gather [hbm4b:s0+s3], $0x80, v11, vm0, $0xb8;
	[tilespmem:$0x10600] =	vst v63  }
0x143: {  	v11 =	vld [tilespmem:$0x160];
	_ =	sdelay $0x4  }
0x144: {  	v44 =	vshll.u32 v11, $0x1  }
0x145: {  	v11 =	vand.u32 $0x7, v11;
	v12 =	vand.u32 $0xFFFFFFF0, v44  }
0x146: {  	v11 =	vor.u32 v11, v12  }
0x147: {  	v12 =	vperm.xlane v11, v0;
	_ =	sdelay $0x1  }
0x148: {  	v11 =	vperm.xlane v11, v2;
	v12 =	vadd.s32 v1, v12;
	_ =	sdelay $0x1  }
0x149: {  	v11 =	vadd.s32 v1, v11;
	_ =	sdelay $0x2  }
0x14a: {  	[tilespmem:s26], [sflag:$0x1] =	stream.indirect_vreg.gather [hbm4b:s0+s3], $0x80, v12, vm0, $0xb8;
	[tilespmem:$0x10600] =	vst v63  }
0x14b: {  	_ = 	snop  }
0x14c: {  	[tilespmem:s28], [sflag:$0x1] =	stream.indirect_vreg.gather [hbm4b:s0+s3], $0x80, v11, vm0, $0xb8;
	[tilespmem:$0x10600] =	vst v63  }
0x14d: {  	v11 =	vld [tilespmem:$0x170];
	_ =	sdelay $0x4  }
0x14e: {  	v45 =	vshll.u32 v11, $0x1  }
0x14f: {  	v11 =	vand.u32 $0x7, v11;
	v12 =	vand.u32 $0xFFFFFFF0, v45  }
0x150: {  	v11 =	vor.u32 v11, v12  }
0x151: {  	v12 =	vperm.xlane v11, v0;
	_ =	sdelay $0x1  }
0x152: {  	v11 =	vperm.xlane v11, v2;
	v12 =	vadd.s32 v1, v12;
	_ =	sdelay $0x1  }
0x153: {  	v11 =	vadd.s32 v1, v11;
	_ =	sdelay $0x2  }
0x154: {  	[tilespmem:s29], [sflag:$0x1] =	stream.indirect_vreg.gather [hbm4b:s0+s3], $0x80, v12, vm0, $0xb8;
	[tilespmem:$0x10600] =	vst v63  }
0x155: {  	_ = 	snop  }
0x156: {  	[tilespmem:s30], [sflag:$0x1] =	stream.indirect_vreg.gather [hbm4b:s0+s3], $0x80, v11, vm0, $0xb8;
	[tilespmem:$0x10600] =	vst v63  }
0x157: {  	_ =	swait.ge [sflag:s13], $0x8000  }
0x158: {  	[sflag:s13] =	ssyncset.done $0x0  }
0x159: {  	[sflag:s13] =	ssyncadd.s32 $0xFFFF8000  }
0x15a: {  	v11 =	vld [tilespmem:$0x280];
	_ =	sdelay $0x4  }
0x15b: {  	v46 =	vshll.u32 v11, $0x3  }
0x15c: {  	v47 =	vld [tilespmem:$0x290];
	v11 =	vand.u32 $0x7F, v11;
	v12 =	vand.u32 $0xFFFFFC00, v46  }
0x15d: {  	v11 =	vor.u32 v11, v12  }
0x15e: {  	v11 =	vadd.s32 v3, v11;
	_ =	sdelay $0x2  }
0x15f: {  	v48 =	vshll.u32 v47, $0x3  }
0x160: {  	v49 =	vld [tilespmem:$0x2A0];
	v13 =	vand.u32 $0x7F, v47;
	v12 =	vand.u32 $0xFFFFFC00, v48  }
0x161: {  	v12 =	vor.u32 v13, v12;
	v11 =	vld.idx.msk [tilespmem:v11+s22+$0x0], $0xffff  }
0x162: {  	v12 =	vadd.s32 v4, v12;
	_ =	sdelay $0x2  }
0x163: {  	v50 =	vshll.u32 v49, $0x3  }
0x164: {  	v51 =	vld [tilespmem:$0x2B0];
	v13 =	vand.u32 $0xFFFFFC00, v50;
	[tilespmem:$0x10480] =	vst v11;
	v11 =	vand.u32 $0x7F, v49  }
0x165: {  	v12 =	vld.idx.msk [tilespmem:v12+s22+$0x0], $0xffff;
	v11 =	vor.u32 v11, v13  }
0x166: {  	v11 =	vadd.s32 v5, v11;
	_ =	sdelay $0x2  }
0x167: {  	v52 =	vshll.u32 v51, $0x3  }
0x168: {  	v54 =	vld [tilespmem:$0x2C0];
	v53 =	vand.u32 $0x7F, v51;
	v13 =	vand.u32 $0xFFFFFC00, v52;
	[tilespmem:$0x10490] =	vst v12  }
0x169: {  	v12 =	vor.u32 v53, v13;
	v11 =	vld.idx.msk [tilespmem:v11+s22+$0x0], $0xffff  }
0x16a: {  	v12 =	vadd.s32 v6, v12;
	_ =	sdelay $0x2  }
0x16b: {  	v55 =	vshll.u32 v54, $0x3  }
0x16c: {  	v56 =	vld [tilespmem:$0x2D0];
	v13 =	vand.u32 $0xFFFFFC00, v55;
	[tilespmem:$0x104A0] =	vst v11;
	v11 =	vand.u32 $0x7F, v54  }
0x16d: {  	v12 =	vld.idx.msk [tilespmem:v12+s22+$0x0], $0xffff;
	v11 =	vor.u32 v11, v13  }
0x16e: {  	v11 =	vadd.s32 v7, v11;
	_ =	sdelay $0x2  }
0x16f: {  	v57 =	vshll.u32 v56, $0x3  }
0x170: {  	v59 =	vld [tilespmem:$0x2E0];
	v58 =	vand.u32 $0x7F, v56;
	v13 =	vand.u32 $0xFFFFFC00, v57;
	[tilespmem:$0x104B0] =	vst v12  }
0x171: {  	v12 =	vor.u32 v58, v13;
	v11 =	vld.idx.msk [tilespmem:v11+s22+$0x0], $0xffff  }
0x172: {  	v12 =	vadd.s32 v8, v12;
	_ =	sdelay $0x2  }
0x173: {  	v60 =	vshll.u32 v59, $0x3  }
0x174: {  	v61 =	vld [tilespmem:$0x2F0];
	v13 =	vand.u32 $0xFFFFFC00, v60;
	[tilespmem:$0x104C0] =	vst v11;
	v11 =	vand.u32 $0x7F, v59  }
0x175: {  	v12 =	vld.idx.msk [tilespmem:v12+s22+$0x0], $0xffff;
	v11 =	vor.u32 v11, v13  }
0x176: {  	v11 =	vadd.s32 v9, v11;
	_ =	sdelay $0x1  }
0x177: {  	v62 =	vld [tilespmem:$0x180]  }
0x178: {  	v63 =	vshll.u32 v61, $0x3  }
0x179: {  	v18 =	vand.u32 $0x7F, v61;
	v19 =	vand.u32 $0xFFFFFC00, v63;
	[tilespmem:$0x104D0] =	vst v12  }
0x17a: {  	v12 =	vor.u32 v18, v19;
	v11 =	vld.idx.msk [tilespmem:v11+s22+$0x0], $0xffff  }
0x17b: {  	v12 =	vadd.s32 v10, v12  }
0x17c: {  	v20 =	vshll.u32 v62, $0x1  }
0x17d: {  	v14 =	vand.u32 $0xFFFFFFF0, v20;
	v13 =	vand.u32 $0x7, v62  }
0x17e: {  	v13 =	vor.u32 v13, v14  }
0x17f: {  	[tilespmem:$0x104E0] =	vst v11;
	v11 =	vperm.xlane v13, v0  }
0x180: {  	v12 =	vld.idx.msk [tilespmem:v12+s22+$0x0], $0xffff  }
0x181: {  	v13 =	vperm.xlane v13, v2;
	v11 =	vadd.s32 v1, v11;
	_ =	sdelay $0x1  }
0x182: {  	v13 =	vadd.s32 v1, v13;
	_ =	sdelay $0x1  }
0x183: {  	[tilespmem:$0x104F0] =	vst v12  }
0x184: {  	[tilespmem:s22], [sflag:$0x2] =	stream.indirect_vreg.gather [hbm4b:s0+s3], $0x80, v11, vm0, $0xb8;
	[tilespmem:$0x10600] =	vst v63  }
0x185: {  	_ = 	snop  }
0x186: {  	[tilespmem:s31], [sflag:$0x2] =	stream.indirect_vreg.gather [hbm4b:s0+s3], $0x80, v13, vm0, $0xb8;
	[tilespmem:$0x10600] =	vst v63  }
0x187: {  	v11 =	vld [tilespmem:$0x190];
	_ =	sdelay $0x4  }
0x188: {  	v21 =	vshll.u32 v11, $0x1  }
0x189: {  	v11 =	vand.u32 $0x7, v11;
	v12 =	vand.u32 $0xFFFFFFF0, v21  }
0x18a: {  	v11 =	vor.u32 v11, v12  }
0x18b: {  	v12 =	vperm.xlane v11, v0;
	_ =	sdelay $0x1  }
0x18c: {  	v11 =	vperm.xlane v11, v2;
	v12 =	vadd.s32 v1, v12;
	_ =	sdelay $0x1  }
0x18d: {  	v11 =	vadd.s32 v1, v11;
	_ =	sdelay $0x1  }
0x18e: {  	s15 =	simm.s32 $0x9400  }
0x18f: {  	[tilespmem:s15], [sflag:$0x2] =	stream.indirect_vreg.gather [hbm4b:s0+s3], $0x80, v12, vm0, $0xb8;
	[tilespmem:$0x10600] =	vst v63  }
0x190: {  	_ = 	snop  }
0x191: {  	[tilespmem:s2], [sflag:$0x2] =	stream.indirect_vreg.gather [hbm4b:s0+s3], $0x80, v11, vm0, $0xb8;
	[tilespmem:$0x10600] =	vst v63  }
0x192: {  	v11 =	vld [tilespmem:$0x1A0];
	_ =	sdelay $0x4  }
0x193: {  	v22 =	vshll.u32 v11, $0x1  }
0x194: {  	v11 =	vand.u32 $0x7, v11;
	v12 =	vand.u32 $0xFFFFFFF0, v22  }
0x195: {  	v11 =	vor.u32 v11, v12  }
0x196: {  	v12 =	vperm.xlane v11, v0;
	_ =	sdelay $0x1  }
0x197: {  	v11 =	vperm.xlane v11, v2;
	v12 =	vadd.s32 v1, v12;
	_ =	sdelay $0x1  }
0x198: {  	v11 =	vadd.s32 v1, v11;
	_ =	sdelay $0x2  }
0x199: {  	[tilespmem:s7], [sflag:$0x2] =	stream.indirect_vreg.gather [hbm4b:s0+s3], $0x80, v12, vm0, $0xb8;
	[tilespmem:$0x10600] =	vst v63  }
0x19a: {  	_ = 	snop  }
0x19b: {  	[tilespmem:s8], [sflag:$0x2] =	stream.indirect_vreg.gather [hbm4b:s0+s3], $0x80, v11, vm0, $0xb8;
	[tilespmem:$0x10600] =	vst v63  }
0x19c: {  	v11 =	vld [tilespmem:$0x1B0];
	_ =	sdelay $0x4  }
0x19d: {  	v23 =	vshll.u32 v11, $0x1  }
0x19e: {  	v11 =	vand.u32 $0x7, v11;
	v12 =	vand.u32 $0xFFFFFFF0, v23  }
0x19f: {  	v11 =	vor.u32 v11, v12  }
0x1a0: {  	v12 =	vperm.xlane v11, v0;
	_ =	sdelay $0x1  }
0x1a1: {  	v11 =	vperm.xlane v11, v2;
	v12 =	vadd.s32 v1, v12;
	_ =	sdelay $0x1  }
0x1a2: {  	v11 =	vadd.s32 v1, v11;
	_ =	sdelay $0x2  }
0x1a3: {  	[tilespmem:s9], [sflag:$0x2] =	stream.indirect_vreg.gather [hbm4b:s0+s3], $0x80, v12, vm0, $0xb8;
	[tilespmem:$0x10600] =	vst v63  }
0x1a4: {  	_ = 	snop  }
0x1a5: {  	[tilespmem:s10], [sflag:$0x2] =	stream.indirect_vreg.gather [hbm4b:s0+s3], $0x80, v11, vm0, $0xb8;
	[tilespmem:$0x10600] =	vst v63  }
0x1a6: {  	v11 =	vld [tilespmem:$0x1C0];
	_ =	sdelay $0x4  }
0x1a7: {  	v24 =	vshll.u32 v11, $0x1  }
0x1a8: {  	v11 =	vand.u32 $0x7, v11;
	v12 =	vand.u32 $0xFFFFFFF0, v24  }
0x1a9: {  	v11 =	vor.u32 v11, v12  }
0x1aa: {  	v12 =	vperm.xlane v11, v0;
	_ =	sdelay $0x1  }
0x1ab: {  	v11 =	vperm.xlane v11, v2;
	v12 =	vadd.s32 v1, v12;
	_ =	sdelay $0x1  }
0x1ac: {  	v11 =	vadd.s32 v1, v11;
	_ =	sdelay $0x2  }
0x1ad: {  	[tilespmem:s11], [sflag:$0x2] =	stream.indirect_vreg.gather [hbm4b:s0+s3], $0x80, v12, vm0, $0xb8;
	[tilespmem:$0x10600] =	vst v63  }
0x1ae: {  	s14 =	simm.s32 $0xCC00  }
0x1af: {  	[tilespmem:s14], [sflag:$0x2] =	stream.indirect_vreg.gather [hbm4b:s0+s3], $0x80, v11, vm0, $0xb8;
	[tilespmem:$0x10600] =	vst v63  }
0x1b0: {  	v11 =	vld [tilespmem:$0x1D0];
	_ =	sdelay $0x4  }
0x1b1: {  	v25 =	vshll.u32 v11, $0x1  }
0x1b2: {  	v11 =	vand.u32 $0x7, v11;
	v12 =	vand.u32 $0xFFFFFFF0, v25  }
0x1b3: {  	v11 =	vor.u32 v11, v12  }
0x1b4: {  	v12 =	vperm.xlane v11, v0;
	_ =	sdelay $0x1  }
0x1b5: {  	v11 =	vperm.xlane v11, v2;
	v12 =	vadd.s32 v1, v12;
	_ =	sdelay $0x1  }
0x1b6: {  	v11 =	vadd.s32 v1, v11;
	_ =	sdelay $0x1  }
0x1b7: {  	s15 =	simm.s32 $0xD400  }
0x1b8: {  	[tilespmem:s15], [sflag:$0x2] =	stream.indirect_vreg.gather [hbm4b:s0+s3], $0x80, v12, vm0, $0xb8;
	[tilespmem:$0x10600] =	vst v63  }
0x1b9: {  	s14 =	simm.s32 $0xDC00  }
0x1ba: {  	[tilespmem:s14], [sflag:$0x2] =	stream.indirect_vreg.gather [hbm4b:s0+s3], $0x80, v11, vm0, $0xb8;
	[tilespmem:$0x10600] =	vst v63  }
0x1bb: {  	v11 =	vld [tilespmem:$0x1E0];
	_ =	sdelay $0x4  }
0x1bc: {  	v26 =	vshll.u32 v11, $0x1  }
0x1bd: {  	v11 =	vand.u32 $0x7, v11;
	v12 =	vand.u32 $0xFFFFFFF0, v26  }
0x1be: {  	v11 =	vor.u32 v11, v12  }
0x1bf: {  	v12 =	vperm.xlane v11, v0;
	_ =	sdelay $0x1  }
0x1c0: {  	v11 =	vperm.xlane v11, v2;
	v12 =	vadd.s32 v1, v12;
	_ =	sdelay $0x1  }
0x1c1: {  	v11 =	vadd.s32 v1, v11;
	_ =	sdelay $0x1  }
0x1c2: {  	s15 =	simm.s32 $0xE400  }
0x1c3: {  	[tilespmem:s15], [sflag:$0x2] =	stream.indirect_vreg.gather [hbm4b:s0+s3], $0x80, v12, vm0, $0xb8;
	[tilespmem:$0x10600] =	vst v63  }
0x1c4: {  	s14 =	simm.s32 $0xEC00  }
0x1c5: {  	[tilespmem:s14], [sflag:$0x2] =	stream.indirect_vreg.gather [hbm4b:s0+s3], $0x80, v11, vm0, $0xb8;
	[tilespmem:$0x10600] =	vst v63  }
0x1c6: {  	v11 =	vld [tilespmem:$0x1F0];
	_ =	sdelay $0x4  }
0x1c7: {  	v27 =	vshll.u32 v11, $0x1  }
0x1c8: {  	v11 =	vand.u32 $0x7, v11;
	v12 =	vand.u32 $0xFFFFFFF0, v27  }
0x1c9: {  	v11 =	vor.u32 v11, v12  }
0x1ca: {  	v12 =	vperm.xlane v11, v0;
	_ =	sdelay $0x1  }
0x1cb: {  	v11 =	vperm.xlane v11, v2;
	v12 =	vadd.s32 v1, v12;
	_ =	sdelay $0x1  }
0x1cc: {  	v11 =	vadd.s32 v1, v11;
	_ =	sdelay $0x1  }
0x1cd: {  	s15 =	simm.s32 $0xF400  }
0x1ce: {  	[tilespmem:s15], [sflag:$0x2] =	stream.indirect_vreg.gather [hbm4b:s0+s3], $0x80, v12, vm0, $0xb8;
	[tilespmem:$0x10600] =	vst v63  }
0x1cf: {  	s14 =	simm.s32 $0xFC00  }
0x1d0: {  	[tilespmem:s14], [sflag:$0x2] =	stream.indirect_vreg.gather [hbm4b:s0+s3], $0x80, v11, vm0, $0xb8;
	[tilespmem:$0x10600] =	vst v63  }
0x1d1: {  	_ =	swait.ge [sflag:s12], $0x8000  }
0x1d2: {  	[sflag:s12] =	ssyncset.done $0x0  }
0x1d3: {  	[sflag:s12] =	ssyncadd.s32 $0xFFFF8000  }
0x1d4: {  	v11 =	vld [tilespmem:$0x300];
	_ =	sdelay $0x4  }
0x1d5: {  	v28 =	vshll.u32 v11, $0x3  }
0x1d6: {  	v29 =	vld [tilespmem:$0x310];
	v11 =	vand.u32 $0x7F, v11;
	v12 =	vand.u32 $0xFFFFFC00, v28  }
0x1d7: {  	v11 =	vor.u32 v11, v12  }
0x1d8: {  	v11 =	vadd.s32 v3, v11;
	_ =	sdelay $0x2  }
0x1d9: {  	v30 =	vshll.u32 v29, $0x3  }
0x1da: {  	v31 =	vld [tilespmem:$0x320];
	v13 =	vand.u32 $0x7F, v29;
	v12 =	vand.u32 $0xFFFFFC00, v30  }
0x1db: {  	v12 =	vor.u32 v13, v12;
	v11 =	vld.idx.msk [tilespmem:v11+s6+$0x0], $0xffff  }
0x1dc: {  	v12 =	vadd.s32 v4, v12;
	_ =	sdelay $0x2  }
0x1dd: {  	v32 =	vshll.u32 v31, $0x3  }
0x1de: {  	v33 =	vld [tilespmem:$0x330];
	v13 =	vand.u32 $0xFFFFFC00, v32;
	[tilespmem:$0x10500] =	vst v11;
	v11 =	vand.u32 $0x7F, v31  }
0x1df: {  	v12 =	vld.idx.msk [tilespmem:v12+s6+$0x0], $0xffff;
	v11 =	vor.u32 v11, v13  }
0x1e0: {  	v11 =	vadd.s32 v5, v11;
	_ =	sdelay $0x2  }
0x1e1: {  	v34 =	vshll.u32 v33, $0x3  }
0x1e2: {  	v36 =	vld [tilespmem:$0x340];
	v35 =	vand.u32 $0x7F, v33;
	v13 =	vand.u32 $0xFFFFFC00, v34;
	[tilespmem:$0x10510] =	vst v12  }
0x1e3: {  	v12 =	vor.u32 v35, v13;
	v11 =	vld.idx.msk [tilespmem:v11+s6+$0x0], $0xffff  }
0x1e4: {  	v12 =	vadd.s32 v6, v12;
	_ =	sdelay $0x2  }
0x1e5: {  	v37 =	vshll.u32 v36, $0x3  }
0x1e6: {  	v38 =	vld [tilespmem:$0x350];
	v13 =	vand.u32 $0xFFFFFC00, v37;
	[tilespmem:$0x10520] =	vst v11;
	v11 =	vand.u32 $0x7F, v36  }
0x1e7: {  	v12 =	vld.idx.msk [tilespmem:v12+s6+$0x0], $0xffff;
	v11 =	vor.u32 v11, v13  }
0x1e8: {  	v11 =	vadd.s32 v7, v11;
	_ =	sdelay $0x2  }
0x1e9: {  	v39 =	vshll.u32 v38, $0x3  }
0x1ea: {  	v41 =	vld [tilespmem:$0x360];
	v40 =	vand.u32 $0x7F, v38;
	v13 =	vand.u32 $0xFFFFFC00, v39;
	[tilespmem:$0x10530] =	vst v12  }
0x1eb: {  	v12 =	vor.u32 v40, v13;
	v11 =	vld.idx.msk [tilespmem:v11+s6+$0x0], $0xffff  }
0x1ec: {  	v12 =	vadd.s32 v8, v12;
	_ =	sdelay $0x2  }
0x1ed: {  	v42 =	vshll.u32 v41, $0x3  }
0x1ee: {  	v43 =	vld [tilespmem:$0x370];
	v13 =	vand.u32 $0xFFFFFC00, v42;
	[tilespmem:$0x10540] =	vst v11;
	v11 =	vand.u32 $0x7F, v41  }
0x1ef: {  	v12 =	vld.idx.msk [tilespmem:v12+s6+$0x0], $0xffff;
	v11 =	vor.u32 v11, v13  }
0x1f0: {  	v11 =	vadd.s32 v9, v11;
	_ =	sdelay $0x2  }
0x1f1: {  	v44 =	vshll.u32 v43, $0x3  }
0x1f2: {  	v45 =	vand.u32 $0x7F, v43;
	v13 =	vand.u32 $0xFFFFFC00, v44;
	[tilespmem:$0x10550] =	vst v12  }
0x1f3: {  	v12 =	vor.u32 v45, v13;
	v11 =	vld.idx.msk [tilespmem:v11+s6+$0x0], $0xffff  }
0x1f4: {  	v12 =	vadd.s32 v10, v12;
	_ =	sdelay $0x3  }
0x1f5: {  	[tilespmem:$0x10560] =	vst v11  }
0x1f6: {  	v11 =	vld.idx.msk [tilespmem:v12+s6+$0x0], $0xffff;
	_ =	sdelay $0x4  }
0x1f7: {  	[tilespmem:$0x10570] =	vst v11  }
0x1f8: {  	_ =	swait.ge [sflag:s13], $0x8000  }
0x1f9: {  	[sflag:s13] =	ssyncset.done $0x0  }
0x1fa: {  	[sflag:s13] =	ssyncadd.s32 $0xFFFF8000  }
0x1fb: {  	v11 =	vld [tilespmem:$0x380];
	_ =	sdelay $0x4  }
0x1fc: {  	v46 =	vshll.u32 v11, $0x3  }
0x1fd: {  	v47 =	vld [tilespmem:$0x390];
	v11 =	vand.u32 $0x7F, v11;
	v12 =	vand.u32 $0xFFFFFC00, v46  }
0x1fe: {  	v11 =	vor.u32 v11, v12  }
0x1ff: {  	v11 =	vadd.s32 v3, v11;
	_ =	sdelay $0x2  }
0x200: {  	v48 =	vshll.u32 v47, $0x3  }
0x201: {  	v49 =	vld [tilespmem:$0x3A0];
	v13 =	vand.u32 $0x7F, v47;
	v12 =	vand.u32 $0xFFFFFC00, v48  }
0x202: {  	v12 =	vor.u32 v13, v12;
	v11 =	vld.idx.msk [tilespmem:v11+s22+$0x0], $0xffff  }
0x203: {  	v12 =	vadd.s32 v4, v12;
	_ =	sdelay $0x2  }
0x204: {  	v50 =	vshll.u32 v49, $0x3  }
0x205: {  	v51 =	vld [tilespmem:$0x3B0];
	v13 =	vand.u32 $0xFFFFFC00, v50;
	[tilespmem:$0x10580] =	vst v11;
	v11 =	vand.u32 $0x7F, v49  }
0x206: {  	v12 =	vld.idx.msk [tilespmem:v12+s22+$0x0], $0xffff;
	v11 =	vor.u32 v11, v13  }
0x207: {  	v11 =	vadd.s32 v5, v11;
	_ =	sdelay $0x2  }
0x208: {  	v52 =	vshll.u32 v51, $0x3  }
0x209: {  	v54 =	vld [tilespmem:$0x3C0];
	v53 =	vand.u32 $0x7F, v51;
	v13 =	vand.u32 $0xFFFFFC00, v52;
	[tilespmem:$0x10590] =	vst v12  }
0x20a: {  	v12 =	vor.u32 v53, v13;
	v11 =	vld.idx.msk [tilespmem:v11+s22+$0x0], $0xffff  }
0x20b: {  	v12 =	vadd.s32 v6, v12;
	_ =	sdelay $0x2  }
0x20c: {  	v55 =	vshll.u32 v54, $0x3  }
0x20d: {  	v56 =	vld [tilespmem:$0x3D0];
	v13 =	vand.u32 $0xFFFFFC00, v55;
	[tilespmem:$0x105A0] =	vst v11;
	v11 =	vand.u32 $0x7F, v54  }
0x20e: {  	v12 =	vld.idx.msk [tilespmem:v12+s22+$0x0], $0xffff;
	v11 =	vor.u32 v11, v13  }
0x20f: {  	v11 =	vadd.s32 v7, v11;
	_ =	sdelay $0x2  }
0x210: {  	v57 =	vshll.u32 v56, $0x3  }
0x211: {  	v59 =	vld [tilespmem:$0x3E0];
	v58 =	vand.u32 $0x7F, v56;
	v13 =	vand.u32 $0xFFFFFC00, v57;
	[tilespmem:$0x105B0] =	vst v12  }
0x212: {  	v12 =	vor.u32 v58, v13;
	v11 =	vld.idx.msk [tilespmem:v11+s22+$0x0], $0xffff  }
0x213: {  	v12 =	vadd.s32 v8, v12;
	_ =	sdelay $0x2  }
0x214: {  	v60 =	vshll.u32 v59, $0x3  }
0x215: {  	v61 =	vld [tilespmem:$0x3F0];
	v13 =	vand.u32 $0xFFFFFC00, v60;
	[tilespmem:$0x105C0] =	vst v11;
	v11 =	vand.u32 $0x7F, v59  }
0x216: {  	v12 =	vld.idx.msk [tilespmem:v12+s22+$0x0], $0xffff;
	v11 =	vor.u32 v11, v13  }
0x217: {  	v11 =	vadd.s32 v9, v11;
	_ =	sdelay $0x2  }
0x218: {  	v62 =	vshll.u32 v61, $0x3  }
0x219: {  	v63 =	vand.u32 $0x7F, v61;
	v13 =	vand.u32 $0xFFFFFC00, v62;
	[tilespmem:$0x105D0] =	vst v12  }
0x21a: {  	v12 =	vor.u32 v63, v13;
	v11 =	vld.idx.msk [tilespmem:v11+s22+$0x0], $0xffff  }
0x21b: {  	v12 =	vadd.s32 v10, v12;
	_ =	sdelay $0x3  }
0x21c: {  	[tilespmem:$0x105E0] =	vst v11  }
0x21d: {  	v11 =	vld.idx.msk [tilespmem:v12+s22+$0x0], $0xffff;
	_ =	sdelay $0x3  }
0x21e: {  	p0 =	sne.s32 s4, $0x1;
	s15 =	rddreg [dreg:$0x7]  }
.Ltmp0:
0x21f: {  	s1 =	rddreg [dreg:$0x9];
	[tilespmem:$0x105F0] =	vst v11;
	(pc) =	sbr.rel @p0 .LBB2_1-.Ltmp0, $4  }
0x220: {  	[hbm4b:s15+s3] =	stream.linear.scatter [tilespmem:s1], [sflag:$0x3], $0x200, $0x38;
	[tilespmem:$0x10600] =	vst v63  }
0x221: {  	_ =	swait.ge [sflag:s5], $0x200  }
0x222: {  	[sflag:s5] =	ssyncset.done $0x0  }
0x223: {  	s4 =	sadd.s32 $0xFFFFFFFF, s4;
	[sflag:s5] =	ssyncadd.s32 $0xFFFFFE00  }
0x224: {  	_ =	sfence.sel $0x180000  }
0x225: {  	[bflag:$0x0] =	sbarrier.arrive $0xFFFF  }
0x226: {  	_ =	strace $0x90000047  }
0x227: {  	s0 =	stileid.u32;
	[bflag:$0x2] =	sbarrier.arrive $0xFFFF  }
0x228: {  	p0 =	sne.s32 s0, $0x0;
	s0 =	rddreg [dreg:$0x4]  }
0x229: {  	s0 =	sadd.s32 @!p0 $0x100000, s0  }
0x22a: {  	[sflag:s0] =	ssyncadd.tile.s32 @!p0 $0x1;
	_ =	shalt  }
.Lfunc_end2:
_tile_overlayer_lowered:
.L_overlay_start_2:
0x22b: {  	(tag) =	ssettag $0x2  }
0x22c: {  	s0 =	rddreg [dreg:$0x0];
	s2 =	stileid.u32  }
0x22d: {  	s1 =	rddreg [dreg:$0x1];
	p0 =	sne.s32 s2, $0x0  }
0x22e: {  	s3 =	rddreg [dreg:$0x2];
	[bflag:$0x3] =	sbarrier.arrive $0xFFFF;
	s2 =	simm.s32 @!p0 $0x1C03  }
0x22f: {  	[timem:s3], [sflag:s2] =	dma.local @!p0 [hbm:s0], s1  }
0x230: {  	s0 =	simm.s32 @!p0 $0x3  }
0x231: {  	_ =	swait.ge @!p0 [sflag:s0], s1  }
0x232: {  	s1 =	ssub.s32 @!p0 $0x0, s1;
	[sflag:s0] =	ssyncset.done @!p0 $0x0  }
0x233: {  	[sflag:s0] =	ssyncadd.s32 @!p0 s1  }
0x234: {  	[bflag:$0x3] =	sbarrier.arrive $0xFFFF  }
0x235: {  	_ =	shalt  }

</sc_bundles>
